<compile_context>
chip_gen: v7x
topology: tpu7x:2x2x1
jax: 0.10.2.dev20260603
libtpu: 0.0.44.dev20260713+nightly
codegen_flags: <defaults>
</compile_context>

<pallas_src>
import numpy as np

import jax
import jax.numpy as jnp
from jax import lax
from jax.experimental import pallas as pl
from jax.experimental.pallas import tpu as pltpu
from jax.experimental.pallas import tpu_sc as plsc

_B, _D = 64, 8192
_K = 1639
_L = 16
_NV = _D // _L
_U = 8
_NC, _NS = 2, 16
_NW = _NC * _NS
_RPW = _B // _NW
_IMIN = np.int32(-2147483648)
_LO = np.float32(0.76)
_HI = np.float32(0.92)
_NEG_INF = np.float32(-np.inf)
_POS_INF = np.float32(np.inf)


def _keys(x):
    b = lax.bitcast_convert_type(x, jnp.int32)
    return jnp.where(b >= 0, b ^ _IMIN, ~b)


def _find_digit(hist_v, kprime, iota):
    S = hist_v[pl.ds(0, _L)]
    for j in range(1, 16):
        S = S + hist_v[pl.ds(j * _L, _L)]
    sh = jnp.flip(jnp.cumsum(jnp.flip(S)))
    cnt1 = jnp.sum((sh >= kprime).astype(jnp.int32))
    hstar = cnt1 - 1
    hab = jnp.sum(jnp.where(iota == cnt1, sh, 0))
    w = plsc.load_gather(hist_v, [iota * _L + hstar])
    sw = jnp.flip(jnp.cumsum(jnp.flip(w))) + hab
    cnt2 = jnp.sum((sw >= kprime).astype(jnp.int32))
    gtv = jnp.sum(jnp.where(iota == cnt2, sw, 0))
    gt = jnp.where(cnt2 == _L, hab, gtv)
    dstar = hstar * _L + cnt2 - 1
    return dstar, kprime - gt


def _compact(x_v, base, cand_v, lo_f, hi_f, zvec):

    def body(i, c):
        off, nhi_v = c
        x = x_v[pl.ds(base + i * _L, _L)]
        mhi = x >= hi_f
        match = (x >= lo_f) & jnp.logical_not(mhi)
        idx = off + jnp.cumsum(match.astype(jnp.int32)) - 1
        plsc.store_scatter(cand_v, [idx], x, mask=match)
        return (off + plsc.all_reduce_population_count(match),
                nhi_v + mhi.astype(jnp.int32))

    off, nhi_v = plsc.parallel_loop(0, _NV, 1, unroll=_U,
                                    carry=(zvec, zvec))(body)
    return jnp.max(off), jnp.sum(nhi_v)


def _select_row(x_v, base, cand_v, hist_v, iota, ones, zeros):
    k = jnp.int32(_K)
    m, nhi = _compact(x_v, base, cand_v, _LO, _HI, zeros)
    good = (nhi < k) & (k <= nhi + m)
    hi_side = nhi >= k
    lo_f = jnp.where(good, _LO, jnp.where(hi_side, _HI, _NEG_INF))
    hi_f = jnp.where(good, _HI, jnp.where(hi_side, _POS_INF, _LO))
    rank = jnp.where(good, k - nhi, jnp.where(hi_side, k, k - (nhi + m)))
    m_fin = jnp.where(good, m,
                      jnp.where(hi_side, nhi, jnp.int32(_D) - nhi - m))

    @pl.when(jnp.logical_not(good))
    def _():
        _compact(x_v, base, cand_v, lo_f, hi_f, zeros)

    plsc.store_scatter(cand_v, [jnp.broadcast_to(m_fin, (_L,)) + iota],
                       jnp.broadcast_to(hi_f, (_L,)))
    nblk = m_fin // _L + 1

    def radix_body(p, c):
        kprime, prefix, pmask = c
        shift = jnp.int32(24) - jnp.int32(8) * p
        for j in range(16):
            hist_v[pl.ds(j * _L, _L)] = zeros

        @plsc.parallel_loop(0, nblk, 1, unroll=2)
        def _(i):
            xc = cand_v[pl.ds(i * _L, _L)]
            ku = _keys(xc)
            inr = (xc >= lo_f) & jnp.logical_not(xc >= hi_f)
            match = inr & ((ku & pmask) == prefix)
            lo_nib = lax.shift_right_logical(ku, shift) & 0xF
            hi_nib = lax.shift_right_logical(ku, shift + 4) & 0xF
            tidx = lax.shift_left(lo_nib, 4) | hi_nib
            plsc.addupdate_scatter(hist_v, [tidx], ones, mask=match)

        d, kprime = _find_digit(hist_v, kprime, iota)
        prefix = prefix | lax.shift_left(d, shift)
        pmask = pmask | lax.shift_left(jnp.int32(0xFF), shift)
        return (kprime, prefix, pmask)

    kprime, prefix, pmask = lax.fori_loop(
        0, 4, radix_body, (rank, jnp.int32(0), jnp.int32(0)))

    bits = jnp.where(prefix < 0, prefix ^ _IMIN, ~prefix)
    return plsc.bitcast(jnp.broadcast_to(bits, (_L,)), jnp.float32)


def _mask_row(x_v, base, o_v, vstar_v):
    @plsc.parallel_loop(0, _NV, 1, unroll=_U)
    def _(i):
        x = x_v[pl.ds(base + i * _L, _L)]
        o_v[pl.ds(i * _L, _L)] = jnp.where(x >= vstar_v, x, 0.0)


def _kwta_body(x_hbm, o_hbm, x_v, o_v, cand_v, hist_v, sem0, sem1, semo):
    wid = lax.axis_index("s") * _NC + lax.axis_index("c")
    iota = lax.iota(jnp.int32, _L)
    ones = jnp.ones((_L,), jnp.int32)
    zeros = jnp.zeros((_L,), jnp.int32)
    row0 = wid * _RPW
    isems = [sem0, sem1]
    incopies = [pltpu.async_copy(x_hbm.at[row0 + r],
                                 x_v.at[pl.ds(r * _D, _D)], isems[r % 2])
                for r in range(_RPW)]
    for c in incopies:
        c.wait()

    def row_body(r, carry):
        base = r * jnp.int32(_D)
        vstar = _select_row(x_v, base, cand_v, hist_v, iota, ones, zeros)

        @pl.when(r > 0)
        def _():
            pltpu.make_async_copy(x_hbm.at[row0], o_v, semo).wait()
        _mask_row(x_v, base, o_v, vstar)
        pltpu.async_copy(o_v, o_hbm.at[row0 + r], semo)
        return carry

    lax.fori_loop(0, _RPW, row_body, jnp.int32(0))
    pltpu.make_async_copy(x_hbm.at[row0], o_v, semo).wait()


def kernel(inputs):
    mesh = plsc.VectorSubcoreMesh(
        core_axis_name="c", subcore_axis_name="s", num_cores=_NC,
        num_subcores=_NS)
    f = pl.kernel(
        _kwta_body,
        out_type=jax.ShapeDtypeStruct((_B, _D), jnp.float32),
        mesh=mesh,
        scratch_types=[
            pltpu.VMEM((_RPW * _D,), jnp.float32),
            pltpu.VMEM((_D,), jnp.float32),
            pltpu.VMEM((_D + _L,), jnp.float32),
            pltpu.VMEM((256,), jnp.int32),
            pltpu.SemaphoreType.DMA,
            pltpu.SemaphoreType.DMA,
            pltpu.SemaphoreType.DMA,
        ],
        compiler_params=pltpu.CompilerParams(needs_layout_passes=False),
    )
    return f(inputs)

# --- scband reference (transcript-rebuilt; emitter-appended) ---
"""Pipeline reference for scband-kwta-60309930770763 (READ-ONLY COPY).

The authoritative reference and input builder live on the scoring server;
editing this copy changes nothing except your own understanding.
"""

import jax, jax.numpy as jnp
import numpy as np
import math

RATIO = 0.2
DIM = 8192


def setup_inputs(seed: int = 0) -> dict:
    key = jax.random.key(seed)
    inputs = jax.random.normal(key, (64, 8192), dtype=jnp.float32)
    return {"inputs": inputs}


def reference(inputs):
    # Kwta with conv=False: inputs are already [B, dim], dim = 8192
    k = int(math.ceil(RATIO * DIM))  # 1639
    # kth largest value per row (sorted top-k, take last)
    kth_largest = jax.lax.top_k(inputs, k)[0][:, -1]
    # zero out everything strictly below the kth-largest (ties at threshold kept)
    outputs = jnp.where(inputs < kth_largest[:, None], 0.0, inputs)
    return outputs

if __name__ == "__main__":
    import jax
    _d = setup_inputs()
    print(jax.jit(kernel)(*tuple(_d.values())))

</pallas_src>

<mosaic_0001>
#map = affine_map<(d0, d1) -> (0, 0)>
module attributes {stable_mosaic.version = 14 : i64} {
  func.func @_kwta_body(%arg0: i32, %arg1: i32, %arg2: memref<64x8192xf32, #tpu.memory_space<hbm>>, %arg3: memref<64x8192xf32, #tpu.memory_space<hbm>>, %arg4: memref<16384xf32, #tpu.memory_space<vmem>>, %arg5: memref<8192xf32, #tpu.memory_space<vmem>>, %arg6: memref<8208xf32, #tpu.memory_space<vmem>>, %arg7: memref<256xi32, #tpu.memory_space<vmem>>, %arg8: memref<!tpu.dma_semaphore, #tpu.memory_space<semaphore_mem>>, %arg9: memref<!tpu.dma_semaphore, #tpu.memory_space<semaphore_mem>>, %arg10: memref<!tpu.dma_semaphore, #tpu.memory_space<semaphore_mem>>) attributes {dimension_semantics = [#tpu.dimension_semantics<core_parallel>, #tpu.dimension_semantics<subcore_parallel>], iteration_bounds = array<i64: 2, 16>, scalar_prefetch = 0 : i64, scratch_operands = 7 : i64, tpu.core_type = #tpu.core_type<sc_vector_subcore>, window_params = [{transform_indices = #map}, {transform_indices = #map}]} {
    %mul3A = arith.constant 2 : i32
    %mul3A_0 = arith.muli %arg1, %mul3A : i32
    %add3A = arith.addi %mul3A_0, %arg0 : i32
    %iota3A = tpu.iota {dimensions = array<i32: 0>} : vector<16xi32>
    %broadcast_in_dim3A = arith.constant 1 : i32
    %broadcast_in_dim3A_1 = vector.broadcast %broadcast_in_dim3A : i32 to vector<16xi32>
    %broadcast_in_dim3A_2 = arith.constant 0 : i32
    %broadcast_in_dim3A_3 = vector.broadcast %broadcast_in_dim3A_2 : i32 to vector<16xi32>
    %mul3A_4 = arith.constant 2 : i32
    %mul3A_5 = arith.muli %add3A, %mul3A_4 : i32
    %add3A_6 = arith.constant 0 : i32
    %add3A_7 = arith.addi %mul3A_5, %add3A_6 : i32
    %dma_start3A = arith.constant 0 : i32
    %dma_start3A_8 = tpu.memref_slice %arg4[%dma_start3A] : memref<16384xf32, #tpu.memory_space<vmem>> -> memref<8192xf32, #tpu.memory_space<vmem>>
    %dma_start3A_9 = arith.constant 0 : i32
    %dma_start3A_10 = tpu.memref_slice %arg2[%add3A_7, %dma_start3A_9] : memref<64x8192xf32, #tpu.memory_space<hbm>> -> memref<1x8192xf32, #tpu.memory_space<hbm>>
    %dma_start3A_11 = tpu.memref_squeeze %dma_start3A_10 : memref<1x8192xf32, #tpu.memory_space<hbm>> -> memref<8192xf32, #tpu.memory_space<hbm>>
    %dma_start3A_12 = arith.constant 0 : i32
    %dma_start3A_13 = tpu.memref_slice %arg4[%dma_start3A_12] : memref<16384xf32, #tpu.memory_space<vmem>> -> memref<8192xf32, #tpu.memory_space<vmem>>
    %dma_start3A_14 = arith.constant 0 : i32
    %dma_start3A_15 = tpu.memref_slice %arg2[%add3A_7, %dma_start3A_14] : memref<64x8192xf32, #tpu.memory_space<hbm>> -> memref<1x8192xf32, #tpu.memory_space<hbm>>
    %dma_start3A_16 = tpu.memref_squeeze %dma_start3A_15 : memref<1x8192xf32, #tpu.memory_space<hbm>> -> memref<8192xf32, #tpu.memory_space<hbm>>
    tpu.enqueue_dma source(%dma_start3A_16 : memref<8192xf32, #tpu.memory_space<hbm>>) target(%dma_start3A_13 : memref<8192xf32, #tpu.memory_space<vmem>>) target_semaphore(%arg8 : memref<!tpu.dma_semaphore, #tpu.memory_space<semaphore_mem>>)
    %add3A_17 = arith.constant 1 : i32
    %add3A_18 = arith.addi %mul3A_5, %add3A_17 : i32
    %dma_start3A_19 = arith.constant 8192 : i32
    %dma_start3A_20 = tpu.memref_slice %arg4[%dma_start3A_19] : memref<16384xf32, #tpu.memory_space<vmem>> -> memref<8192xf32, #tpu.memory_space<vmem>>
    %dma_start3A_21 = arith.constant 0 : i32
    %dma_start3A_22 = tpu.memref_slice %arg2[%add3A_18, %dma_start3A_21] : memref<64x8192xf32, #tpu.memory_space<hbm>> -> memref<1x8192xf32, #tpu.memory_space<hbm>>
    %dma_start3A_23 = tpu.memref_squeeze %dma_start3A_22 : memref<1x8192xf32, #tpu.memory_space<hbm>> -> memref<8192xf32, #tpu.memory_space<hbm>>
    %dma_start3A_24 = arith.constant 8192 : i32
    %dma_start3A_25 = tpu.memref_slice %arg4[%dma_start3A_24] : memref<16384xf32, #tpu.memory_space<vmem>> -> memref<8192xf32, #tpu.memory_space<vmem>>
    %dma_start3A_26 = arith.constant 0 : i32
    %dma_start3A_27 = tpu.memref_slice %arg2[%add3A_18, %dma_start3A_26] : memref<64x8192xf32, #tpu.memory_space<hbm>> -> memref<1x8192xf32, #tpu.memory_space<hbm>>
    %dma_start3A_28 = tpu.memref_squeeze %dma_start3A_27 : memref<1x8192xf32, #tpu.memory_space<hbm>> -> memref<8192xf32, #tpu.memory_space<hbm>>
    tpu.enqueue_dma source(%dma_start3A_28 : memref<8192xf32, #tpu.memory_space<hbm>>) target(%dma_start3A_25 : memref<8192xf32, #tpu.memory_space<vmem>>) target_semaphore(%arg9 : memref<!tpu.dma_semaphore, #tpu.memory_space<semaphore_mem>>)
    %dma_wait3A = arith.constant 0 : i32
    %dma_wait3A_29 = tpu.memref_slice %arg4[%dma_wait3A] : memref<16384xf32, #tpu.memory_space<vmem>> -> memref<8192xf32, #tpu.memory_space<vmem>>
    %dma_wait3A_30 = arith.constant 0 : i32
    %dma_wait3A_31 = tpu.memref_slice %arg2[%add3A_7, %dma_wait3A_30] : memref<64x8192xf32, #tpu.memory_space<hbm>> -> memref<1x8192xf32, #tpu.memory_space<hbm>>
    %dma_wait3A_32 = tpu.memref_squeeze %dma_wait3A_31 : memref<1x8192xf32, #tpu.memory_space<hbm>> -> memref<8192xf32, #tpu.memory_space<hbm>>
    %dma_wait3A_33 = arith.constant 0 : i32
    %dma_wait3A_34 = tpu.memref_slice %arg4[%dma_wait3A_33] : memref<16384xf32, #tpu.memory_space<vmem>> -> memref<8192xf32, #tpu.memory_space<vmem>>
    %dma_wait3A_35 = arith.constant 0 : i32
    %dma_wait3A_36 = tpu.memref_slice %arg2[%add3A_7, %dma_wait3A_35] : memref<64x8192xf32, #tpu.memory_space<hbm>> -> memref<1x8192xf32, #tpu.memory_space<hbm>>
    %dma_wait3A_37 = tpu.memref_squeeze %dma_wait3A_36 : memref<1x8192xf32, #tpu.memory_space<hbm>> -> memref<8192xf32, #tpu.memory_space<hbm>>
    tpu.wait_dma2 semaphore(%arg8 : memref<!tpu.dma_semaphore, #tpu.memory_space<semaphore_mem>>) src(%dma_wait3A_37 : memref<8192xf32, #tpu.memory_space<hbm>>) dst(%dma_wait3A_34 : memref<8192xf32, #tpu.memory_space<vmem>>)
    %dma_wait3A_38 = arith.constant 8192 : i32
    %dma_wait3A_39 = tpu.memref_slice %arg4[%dma_wait3A_38] : memref<16384xf32, #tpu.memory_space<vmem>> -> memref<8192xf32, #tpu.memory_space<vmem>>
    %dma_wait3A_40 = arith.constant 0 : i32
    %dma_wait3A_41 = tpu.memref_slice %arg2[%add3A_18, %dma_wait3A_40] : memref<64x8192xf32, #tpu.memory_space<hbm>> -> memref<1x8192xf32, #tpu.memory_space<hbm>>
    %dma_wait3A_42 = tpu.memref_squeeze %dma_wait3A_41 : memref<1x8192xf32, #tpu.memory_space<hbm>> -> memref<8192xf32, #tpu.memory_space<hbm>>
    %dma_wait3A_43 = arith.constant 8192 : i32
    %dma_wait3A_44 = tpu.memref_slice %arg4[%dma_wait3A_43] : memref<16384xf32, #tpu.memory_space<vmem>> -> memref<8192xf32, #tpu.memory_space<vmem>>
    %dma_wait3A_45 = arith.constant 0 : i32
    %dma_wait3A_46 = tpu.memref_slice %arg2[%add3A_18, %dma_wait3A_45] : memref<64x8192xf32, #tpu.memory_space<hbm>> -> memref<1x8192xf32, #tpu.memory_space<hbm>>
    %dma_wait3A_47 = tpu.memref_squeeze %dma_wait3A_46 : memref<1x8192xf32, #tpu.memory_space<hbm>> -> memref<8192xf32, #tpu.memory_space<hbm>>
    tpu.wait_dma2 semaphore(%arg9 : memref<!tpu.dma_semaphore, #tpu.memory_space<semaphore_mem>>) src(%dma_wait3A_47 : memref<8192xf32, #tpu.memory_space<hbm>>) dst(%dma_wait3A_44 : memref<8192xf32, #tpu.memory_space<vmem>>)
    %scan3A = arith.constant 0 : i32
    %scan3A_48 = arith.constant 0 : i32
    %scan3A_49 = arith.constant 2 : i32
    %scan3A_50 = arith.addi %scan3A_48, %scan3A_49 : i32
    %scan3A_51 = arith.constant 1 : i32
    scf.for %scan3A_59 = %scan3A_48 to %scan3A_50 step %scan3A_51  : i32 {
      %mul3A_60 = arith.constant 8192 : i32
      %mul3A_61 = arith.muli %scan3A_59, %mul3A_60 : i32
      %parallel_loop3A = arith.constant 0 : i32
      %parallel_loop3A_62 = arith.constant 512 : i32
      %parallel_loop3A_63 = arith.constant 1 : i32
      %parallel_loop3A_64:2 = scf.for %parallel_loop3A_155 = %parallel_loop3A to %parallel_loop3A_62 step %parallel_loop3A_63 iter_args(%parallel_loop3A_156 = %broadcast_in_dim3A_3, %parallel_loop3A_157 = %broadcast_in_dim3A_3) -> (vector<16xi32>, vector<16xi32>)  : i32 {
        %parallel_loop3A_158 = arith.constant 16 : i32
        %parallel_loop3A_159 = arith.muli %parallel_loop3A_155, %parallel_loop3A_158 : i32
        %parallel_loop3A_160 = arith.addi %mul3A_61, %parallel_loop3A_159 : i32
        %parallel_loop3A_161 = arith.index_cast %parallel_loop3A_160 : i32 to index
        %parallel_loop3A_162 = tpu.vector_load %arg4[%parallel_loop3A_161] {strides = array<i32>} : memref<16384xf32, #tpu.memory_space<vmem>>, vector<16xf32>,
        %parallel_loop3A_163 = arith.constant 9.200000e-01 : f32
        %parallel_loop3A_164 = vector.broadcast %parallel_loop3A_163 : f32 to vector<16xf32>
        %parallel_loop3A_165 = arith.cmpf oge, %parallel_loop3A_162, %parallel_loop3A_164 : vector<16xf32>
        %parallel_loop3A_166 = arith.constant 7.600000e-01 : f32
        %parallel_loop3A_167 = vector.broadcast %parallel_loop3A_166 : f32 to vector<16xf32>
        %parallel_loop3A_168 = arith.cmpf oge, %parallel_loop3A_162, %parallel_loop3A_167 : vector<16xf32>
        %parallel_loop3A_169 = arith.constant dense<true> : vector<16xi1>
        %parallel_loop3A_170 = arith.xori %parallel_loop3A_165, %parallel_loop3A_169 : vector<16xi1>
        %parallel_loop3A_171 = arith.andi %parallel_loop3A_168, %parallel_loop3A_170 : vector<16xi1>
        %parallel_loop3A_172 = arith.extui %parallel_loop3A_171 : vector<16xi1> to vector<16xi32>
        %parallel_loop3A_173 = arith.constant true
        %parallel_loop3A_174 = vector.broadcast %parallel_loop3A_173 : i1 to vector<16xi1>
        %parallel_loop3A_175 = tpu.scan <sum>, %parallel_loop3A_172 masked %parallel_loop3A_174 : vector<16xi32>, vector<16xi1> -> vector<16xi32>
        %parallel_loop3A_176 = arith.addi %parallel_loop3A_156, %parallel_loop3A_175 : vector<16xi32>
        %parallel_loop3A_177 = arith.constant 1 : i32
        %parallel_loop3A_178 = vector.broadcast %parallel_loop3A_177 : i32 to vector<16xi32>
        %parallel_loop3A_179 = arith.subi %parallel_loop3A_176, %parallel_loop3A_178 : vector<16xi32>
        tpu.vector_store_idx %arg6[%parallel_loop3A_179], %parallel_loop3A_162 masked %parallel_loop3A_171 : memref<8208xf32, #tpu.memory_space<vmem>>[vector<16xi32>], vector<16xf32>, vector<16xi1>
        %parallel_loop3A_180 = tpu.all_reduce %parallel_loop3A_171 {dim = 0 : i64, kind = #tpu.reduction_kind<sum>} : vector<16xi1> -> vector<16xi32>
        %parallel_loop3A_181 = arith.addi %parallel_loop3A_156, %parallel_loop3A_180 : vector<16xi32>
        %parallel_loop3A_182 = arith.extui %parallel_loop3A_165 : vector<16xi1> to vector<16xi32>
        %parallel_loop3A_183 = arith.addi %parallel_loop3A_157, %parallel_loop3A_182 : vector<16xi32>
        scf.yield %parallel_loop3A_181, %parallel_loop3A_183 : vector<16xi32>, vector<16xi32>
      } {sc.loop_unroll_factor = 8 : i64, sc.parallel_access}
      %reduce_max3A = arith.constant true
      %reduce_max3A_65 = vector.broadcast %reduce_max3A : i1 to vector<16xi1>
      %reduce_max3A_66 = arith.constant -2147483648 : i32
      %reduce_max3A_67 = vector.broadcast %reduce_max3A_66 : i32 to vector<16xi32>
      %reduce_max3A_68 = arith.xori %parallel_loop3A_64#0, %reduce_max3A_67 : vector<16xi32>
      %reduce_max3A_69 = tpu.scan <max>, %reduce_max3A_68 masked %reduce_max3A_65 : vector<16xi32>, vector<16xi1> -> vector<16xi32>
      %reduce_max3A_70 = arith.xori %reduce_max3A_69, %reduce_max3A_67 : vector<16xi32>
      %reduce_max3A_71 = vector.extract %reduce_max3A_70[15] : i32 from vector<16xi32>
      %reduce_sum3A = arith.constant true
      %reduce_sum3A_72 = vector.broadcast %reduce_sum3A : i1 to vector<16xi1>
      %reduce_sum3A_73 = tpu.scan <sum>, %parallel_loop3A_64#1 masked %reduce_sum3A_72 : vector<16xi32>, vector<16xi1> -> vector<16xi32>
      %reduce_sum3A_74 = vector.extract %reduce_sum3A_73[15] : i32 from vector<16xi32>
      %lt3A = arith.constant 1639 : i32
      %lt3A_75 = arith.cmpi slt, %reduce_sum3A_74, %lt3A : i32
      %add3A_76 = arith.addi %reduce_sum3A_74, %reduce_max3A_71 : i32
      %le3A = arith.constant 1639 : i32
      %le3A_77 = arith.cmpi sle, %le3A, %add3A_76 : i32
      %and3A = arith.andi %lt3A_75, %le3A_77 : i1
      %ge3A = arith.constant 1639 : i32
      %ge3A_78 = arith.cmpi sge, %reduce_sum3A_74, %ge3A : i32
      %jit3A = arith.constant 9.200000e-01 : f32
      %jit3A_79 = arith.constant 0xFF800000 : f32
      %select_n3A = arith.select %ge3A_78, %jit3A, %jit3A_79 : f32
      %jit3A_80 = arith.constant 7.600000e-01 : f32
      %select_n3A_81 = arith.select %and3A, %jit3A_80, %select_n3A : f32
      %jit3A_82 = arith.constant 0x7F800000 : f32
      %jit3A_83 = arith.constant 7.600000e-01 : f32
      %select_n3A_84 = arith.select %ge3A_78, %jit3A_82, %jit3A_83 : f32
      %jit3A_85 = arith.constant 9.200000e-01 : f32
      %select_n3A_86 = arith.select %and3A, %jit3A_85, %select_n3A_84 : f32
      %sub3A = arith.constant 1639 : i32
      %sub3A_87 = arith.subi %sub3A, %reduce_sum3A_74 : i32
      %add3A_88 = arith.addi %reduce_sum3A_74, %reduce_max3A_71 : i32
      %sub3A_89 = arith.constant 1639 : i32
      %sub3A_90 = arith.subi %sub3A_89, %add3A_88 : i32
      %jit3A_91 = arith.constant 1639 : i32
      %select_n3A_92 = arith.select %ge3A_78, %jit3A_91, %sub3A_90 : i32
      %select_n3A_93 = arith.select %and3A, %sub3A_87, %select_n3A_92 : i32
      %sub3A_94 = arith.constant 8192 : i32
      %sub3A_95 = arith.subi %sub3A_94, %reduce_sum3A_74 : i32
      %sub3A_96 = arith.subi %sub3A_95, %reduce_max3A_71 : i32
      %select_n3A_97 = arith.select %ge3A_78, %reduce_sum3A_74, %sub3A_96 : i32
      %select_n3A_98 = arith.select %and3A, %reduce_max3A_71, %select_n3A_97 : i32
      %not3A = arith.constant true
      %not3A_99 = arith.xori %and3A, %not3A : i1
      %convert_element_type3A = arith.extui %not3A_99 : i1 to i32
      %cond3A = arith.constant 0 : i32
      %cond3A_100 = arith.cmpi ne, %convert_element_type3A, %cond3A : i32
      scf.if %cond3A_100 {
        %parallel_loop3A_155 = arith.constant 0 : i32
        %parallel_loop3A_156 = arith.constant 512 : i32
        %parallel_loop3A_157 = arith.constant 1 : i32
        %parallel_loop3A_158:2 = scf.for %parallel_loop3A_171 = %parallel_loop3A_155 to %parallel_loop3A_156 step %parallel_loop3A_157 iter_args(%parallel_loop3A_172 = %broadcast_in_dim3A_3, %parallel_loop3A_173 = %broadcast_in_dim3A_3) -> (vector<16xi32>, vector<16xi32>)  : i32 {
          %parallel_loop3A_174 = arith.constant 16 : i32
          %parallel_loop3A_175 = arith.muli %parallel_loop3A_171, %parallel_loop3A_174 : i32
          %parallel_loop3A_176 = arith.addi %mul3A_61, %parallel_loop3A_175 : i32
          %parallel_loop3A_177 = arith.index_cast %parallel_loop3A_176 : i32 to index
          %parallel_loop3A_178 = tpu.vector_load %arg4[%parallel_loop3A_177] {strides = array<i32>} : memref<16384xf32, #tpu.memory_space<vmem>>, vector<16xf32>,
          %parallel_loop3A_179 = vector.broadcast %select_n3A_86 : f32 to vector<16xf32>
          %parallel_loop3A_180 = arith.cmpf oge, %parallel_loop3A_178, %parallel_loop3A_179 : vector<16xf32>
          %parallel_loop3A_181 = vector.broadcast %select_n3A_81 : f32 to vector<16xf32>
          %parallel_loop3A_182 = arith.cmpf oge, %parallel_loop3A_178, %parallel_loop3A_181 : vector<16xf32>
          %parallel_loop3A_183 = arith.constant dense<true> : vector<16xi1>
          %parallel_loop3A_184 = arith.xori %parallel_loop3A_180, %parallel_loop3A_183 : vector<16xi1>
          %parallel_loop3A_185 = arith.andi %parallel_loop3A_182, %parallel_loop3A_184 : vector<16xi1>
          %parallel_loop3A_186 = arith.extui %parallel_loop3A_185 : vector<16xi1> to vector<16xi32>
          %parallel_loop3A_187 = arith.constant true
          %parallel_loop3A_188 = vector.broadcast %parallel_loop3A_187 : i1 to vector<16xi1>
          %parallel_loop3A_189 = tpu.scan <sum>, %parallel_loop3A_186 masked %parallel_loop3A_188 : vector<16xi32>, vector<16xi1> -> vector<16xi32>
          %parallel_loop3A_190 = arith.addi %parallel_loop3A_172, %parallel_loop3A_189 : vector<16xi32>
          %parallel_loop3A_191 = arith.constant 1 : i32
          %parallel_loop3A_192 = vector.broadcast %parallel_loop3A_191 : i32 to vector<16xi32>
          %parallel_loop3A_193 = arith.subi %parallel_loop3A_190, %parallel_loop3A_192 : vector<16xi32>
          tpu.vector_store_idx %arg6[%parallel_loop3A_193], %parallel_loop3A_178 masked %parallel_loop3A_185 : memref<8208xf32, #tpu.memory_space<vmem>>[vector<16xi32>], vector<16xf32>, vector<16xi1>
          %parallel_loop3A_194 = tpu.all_reduce %parallel_loop3A_185 {dim = 0 : i64, kind = #tpu.reduction_kind<sum>} : vector<16xi1> -> vector<16xi32>
          %parallel_loop3A_195 = arith.addi %parallel_loop3A_172, %parallel_loop3A_194 : vector<16xi32>
          %parallel_loop3A_196 = arith.extui %parallel_loop3A_180 : vector<16xi1> to vector<16xi32>
          %parallel_loop3A_197 = arith.addi %parallel_loop3A_173, %parallel_loop3A_196 : vector<16xi32>
          scf.yield %parallel_loop3A_195, %parallel_loop3A_197 : vector<16xi32>, vector<16xi32>
        } {sc.loop_unroll_factor = 8 : i64, sc.parallel_access}
        %reduce_max3A_159 = arith.constant true
        %reduce_max3A_160 = vector.broadcast %reduce_max3A_159 : i1 to vector<16xi1>
        %reduce_max3A_161 = arith.constant -2147483648 : i32
        %reduce_max3A_162 = vector.broadcast %reduce_max3A_161 : i32 to vector<16xi32>
        %reduce_max3A_163 = arith.xori %parallel_loop3A_158#0, %reduce_max3A_162 : vector<16xi32>
        %reduce_max3A_164 = tpu.scan <max>, %reduce_max3A_163 masked %reduce_max3A_160 : vector<16xi32>, vector<16xi1> -> vector<16xi32>
        %reduce_max3A_165 = arith.xori %reduce_max3A_164, %reduce_max3A_162 : vector<16xi32>
        %reduce_max3A_166 = vector.extract %reduce_max3A_165[15] : i32 from vector<16xi32>
        %reduce_sum3A_167 = arith.constant true
        %reduce_sum3A_168 = vector.broadcast %reduce_sum3A_167 : i1 to vector<16xi1>
        %reduce_sum3A_169 = tpu.scan <sum>, %parallel_loop3A_158#1 masked %reduce_sum3A_168 : vector<16xi32>, vector<16xi1> -> vector<16xi32>
        %reduce_sum3A_170 = vector.extract %reduce_sum3A_169[15] : i32 from vector<16xi32>
      } else {
      }
      %broadcast_in_dim3A_101 = vector.broadcast %select_n3A_98 : i32 to vector<16xi32>
      %add3A_102 = arith.addi %broadcast_in_dim3A_101, %iota3A : vector<16xi32>
      %broadcast_in_dim3A_103 = vector.broadcast %select_n3A_86 : f32 to vector<16xf32>
      tpu.vector_store_idx %arg6[%add3A_102], %broadcast_in_dim3A_103 : memref<8208xf32, #tpu.memory_space<vmem>>[vector<16xi32>], vector<16xf32>,
      %jit3A_104 = arith.constant 16 : i32
      %div3A = arith.divsi %select_n3A_98, %jit3A_104 : i32
      %sign3A = arith.constant 0 : i32
      %sign3A_105 = arith.cmpi sgt, %select_n3A_98, %sign3A : i32
      %sign3A_106 = arith.extui %sign3A_105 : i1 to i32
      %sign3A_107 = arith.constant 0 : i32
      %sign3A_108 = arith.cmpi slt, %select_n3A_98, %sign3A_107 : i32
      %sign3A_109 = arith.extui %sign3A_108 : i1 to i32
      %sign3A_110 = arith.subi %sign3A_106, %sign3A_109 : i32
      %sign3A_111 = arith.constant 0 : i32
      %sign3A_112 = arith.cmpi sgt, %jit3A_104, %sign3A_111 : i32
      %sign3A_113 = arith.extui %sign3A_112 : i1 to i32
      %sign3A_114 = arith.constant 0 : i32
      %sign3A_115 = arith.cmpi slt, %jit3A_104, %sign3A_114 : i32
      %sign3A_116 = arith.extui %sign3A_115 : i1 to i32
      %sign3A_117 = arith.subi %sign3A_113, %sign3A_116 : i32
      %ne3A = arith.cmpi ne, %sign3A_110, %sign3A_117 : i32
      %rem3A = arith.remsi %select_n3A_98, %jit3A_104 : i32
      %ne3A_118 = arith.constant 0 : i32
      %ne3A_119 = arith.cmpi ne, %rem3A, %ne3A_118 : i32
      %and3A_120 = arith.andi %ne3A, %ne3A_119 : i1
      %sub3A_121 = arith.constant 1 : i32
      %sub3A_122 = arith.subi %div3A, %sub3A_121 : i32
      %select_n3A_123 = arith.select %and3A_120, %sub3A_122, %div3A : i32
      %add3A_124 = arith.constant 1 : i32
      %add3A_125 = arith.addi %select_n3A_123, %add3A_124 : i32
      %scan3A_126 = arith.constant 0 : i32
      %scan3A_127 = arith.constant 0 : i32
      %scan3A_128 = arith.constant 0 : i32
      %scan3A_129 = arith.constant 4 : i32
      %scan3A_130 = arith.addi %scan3A_128, %scan3A_129 : i32
      %scan3A_131 = arith.constant 1 : i32
      %scan3A_132:3 = scf.for %scan3A_155 = %scan3A_128 to %scan3A_130 step %scan3A_131 iter_args(%scan3A_156 = %select_n3A_93, %scan3A_157 = %scan3A_126, %scan3A_158 = %scan3A_127) -> (i32, i32, i32)  : i32 {
        %mul3A_159 = arith.constant 8 : i32
        %mul3A_160 = arith.muli %mul3A_159, %scan3A_155 : i32
        %sub3A_161 = arith.constant 24 : i32
        %sub3A_162 = arith.subi %sub3A_161, %mul3A_160 : i32
        %swap3A = arith.constant 0 : index
        %swap3A_163 = tpu.vector_load %arg7[%swap3A] {strides = array<i32>} : memref<256xi32, #tpu.memory_space<vmem>>, vector<16xi32>,
        tpu.vector_store %arg7[%swap3A], %broadcast_in_dim3A_3 {strides = array<i32>} : memref<256xi32, #tpu.memory_space<vmem>>, vector<16xi32>,
        %swap3A_164 = arith.constant 16 : index
        %swap3A_165 = tpu.vector_load %arg7[%swap3A_164] {strides = array<i32>} : memref<256xi32, #tpu.memory_space<vmem>>, vector<16xi32>,
        tpu.vector_store %arg7[%swap3A_164], %broadcast_in_dim3A_3 {strides = array<i32>} : memref<256xi32, #tpu.memory_space<vmem>>, vector<16xi32>,
        %swap3A_166 = arith.constant 32 : index
        %swap3A_167 = tpu.vector_load %arg7[%swap3A_166] {strides = array<i32>} : memref<256xi32, #tpu.memory_space<vmem>>, vector<16xi32>,
        tpu.vector_store %arg7[%swap3A_166], %broadcast_in_dim3A_3 {strides = array<i32>} : memref<256xi32, #tpu.memory_space<vmem>>, vector<16xi32>,
        %swap3A_168 = arith.constant 48 : index
        %swap3A_169 = tpu.vector_load %arg7[%swap3A_168] {strides = array<i32>} : memref<256xi32, #tpu.memory_space<vmem>>, vector<16xi32>,
        tpu.vector_store %arg7[%swap3A_168], %broadcast_in_dim3A_3 {strides = array<i32>} : memref<256xi32, #tpu.memory_space<vmem>>, vector<16xi32>,
        %swap3A_170 = arith.constant 64 : index
        %swap3A_171 = tpu.vector_load %arg7[%swap3A_170] {strides = array<i32>} : memref<256xi32, #tpu.memory_space<vmem>>, vector<16xi32>,
        tpu.vector_store %arg7[%swap3A_170], %broadcast_in_dim3A_3 {strides = array<i32>} : memref<256xi32, #tpu.memory_space<vmem>>, vector<16xi32>,
        %swap3A_172 = arith.constant 80 : index
        %swap3A_173 = tpu.vector_load %arg7[%swap3A_172] {strides = array<i32>} : memref<256xi32, #tpu.memory_space<vmem>>, vector<16xi32>,
        tpu.vector_store %arg7[%swap3A_172], %broadcast_in_dim3A_3 {strides = array<i32>} : memref<256xi32, #tpu.memory_space<vmem>>, vector<16xi32>,
        %swap3A_174 = arith.constant 96 : index
        %swap3A_175 = tpu.vector_load %arg7[%swap3A_174] {strides = array<i32>} : memref<256xi32, #tpu.memory_space<vmem>>, vector<16xi32>,
        tpu.vector_store %arg7[%swap3A_174], %broadcast_in_dim3A_3 {strides = array<i32>} : memref<256xi32, #tpu.memory_space<vmem>>, vector<16xi32>,
        %swap3A_176 = arith.constant 112 : index
        %swap3A_177 = tpu.vector_load %arg7[%swap3A_176] {strides = array<i32>} : memref<256xi32, #tpu.memory_space<vmem>>, vector<16xi32>,
        tpu.vector_store %arg7[%swap3A_176], %broadcast_in_dim3A_3 {strides = array<i32>} : memref<256xi32, #tpu.memory_space<vmem>>, vector<16xi32>,
        %swap3A_178 = arith.constant 128 : index
        %swap3A_179 = tpu.vector_load %arg7[%swap3A_178] {strides = array<i32>} : memref<256xi32, #tpu.memory_space<vmem>>, vector<16xi32>,
        tpu.vector_store %arg7[%swap3A_178], %broadcast_in_dim3A_3 {strides = array<i32>} : memref<256xi32, #tpu.memory_space<vmem>>, vector<16xi32>,
        %swap3A_180 = arith.constant 144 : index
        %swap3A_181 = tpu.vector_load %arg7[%swap3A_180] {strides = array<i32>} : memref<256xi32, #tpu.memory_space<vmem>>, vector<16xi32>,
        tpu.vector_store %arg7[%swap3A_180], %broadcast_in_dim3A_3 {strides = array<i32>} : memref<256xi32, #tpu.memory_space<vmem>>, vector<16xi32>,
        %swap3A_182 = arith.constant 160 : index
        %swap3A_183 = tpu.vector_load %arg7[%swap3A_182] {strides = array<i32>} : memref<256xi32, #tpu.memory_space<vmem>>, vector<16xi32>,
        tpu.vector_store %arg7[%swap3A_182], %broadcast_in_dim3A_3 {strides = array<i32>} : memref<256xi32, #tpu.memory_space<vmem>>, vector<16xi32>,
        %swap3A_184 = arith.constant 176 : index
        %swap3A_185 = tpu.vector_load %arg7[%swap3A_184] {strides = array<i32>} : memref<256xi32, #tpu.memory_space<vmem>>, vector<16xi32>,
        tpu.vector_store %arg7[%swap3A_184], %broadcast_in_dim3A_3 {strides = array<i32>} : memref<256xi32, #tpu.memory_space<vmem>>, vector<16xi32>,
        %swap3A_186 = arith.constant 192 : index
        %swap3A_187 = tpu.vector_load %arg7[%swap3A_186] {strides = array<i32>} : memref<256xi32, #tpu.memory_space<vmem>>, vector<16xi32>,
        tpu.vector_store %arg7[%swap3A_186], %broadcast_in_dim3A_3 {strides = array<i32>} : memref<256xi32, #tpu.memory_space<vmem>>, vector<16xi32>,
        %swap3A_188 = arith.constant 208 : index
        %swap3A_189 = tpu.vector_load %arg7[%swap3A_188] {strides = array<i32>} : memref<256xi32, #tpu.memory_space<vmem>>, vector<16xi32>,
        tpu.vector_store %arg7[%swap3A_188], %broadcast_in_dim3A_3 {strides = array<i32>} : memref<256xi32, #tpu.memory_space<vmem>>, vector<16xi32>,
        %swap3A_190 = arith.constant 224 : index
        %swap3A_191 = tpu.vector_load %arg7[%swap3A_190] {strides = array<i32>} : memref<256xi32, #tpu.memory_space<vmem>>, vector<16xi32>,
        tpu.vector_store %arg7[%swap3A_190], %broadcast_in_dim3A_3 {strides = array<i32>} : memref<256xi32, #tpu.memory_space<vmem>>, vector<16xi32>,
        %swap3A_192 = arith.constant 240 : index
        %swap3A_193 = tpu.vector_load %arg7[%swap3A_192] {strides = array<i32>} : memref<256xi32, #tpu.memory_space<vmem>>, vector<16xi32>,
        tpu.vector_store %arg7[%swap3A_192], %broadcast_in_dim3A_3 {strides = array<i32>} : memref<256xi32, #tpu.memory_space<vmem>>, vector<16xi32>,
        %parallel_loop3A_194 = arith.constant 0 : i32
        %parallel_loop3A_195 = arith.constant 1 : i32
        scf.for %parallel_loop3A_318 = %parallel_loop3A_194 to %add3A_125 step %parallel_loop3A_195  : i32 {
          %parallel_loop3A_319 = arith.constant 16 : i32
          %parallel_loop3A_320 = arith.muli %parallel_loop3A_318, %parallel_loop3A_319 : i32
          %parallel_loop3A_321 = arith.index_cast %parallel_loop3A_320 : i32 to index
          %parallel_loop3A_322 = tpu.vector_load %arg6[%parallel_loop3A_321] {strides = array<i32>} : memref<8208xf32, #tpu.memory_space<vmem>>, vector<16xf32>,
          %parallel_loop3A_323 = tpu.bitcast %parallel_loop3A_322 : vector<16xf32> -> vector<16xi32>
          %parallel_loop3A_324 = arith.constant 0 : i32
          %parallel_loop3A_325 = vector.broadcast %parallel_loop3A_324 : i32 to vector<16xi32>
          %parallel_loop3A_326 = arith.cmpi sge, %parallel_loop3A_323, %parallel_loop3A_325 : vector<16xi32>
          %parallel_loop3A_327 = arith.constant -2147483648 : i32
          %parallel_loop3A_328 = vector.broadcast %parallel_loop3A_327 : i32 to vector<16xi32>
          %parallel_loop3A_329 = arith.xori %parallel_loop3A_323, %parallel_loop3A_328 : vector<16xi32>
          %parallel_loop3A_330 = arith.constant dense<-1> : vector<16xi32>
          %parallel_loop3A_331 = arith.xori %parallel_loop3A_323, %parallel_loop3A_330 : vector<16xi32>
          %parallel_loop3A_332 = arith.select %parallel_loop3A_326, %parallel_loop3A_329, %parallel_loop3A_331 : vector<16xi1>, vector<16xi32>
          %parallel_loop3A_333 = vector.broadcast %select_n3A_81 : f32 to vector<16xf32>
          %parallel_loop3A_334 = arith.cmpf oge, %parallel_loop3A_322, %parallel_loop3A_333 : vector<16xf32>
          %parallel_loop3A_335 = vector.broadcast %select_n3A_86 : f32 to vector<16xf32>
          %parallel_loop3A_336 = arith.cmpf oge, %parallel_loop3A_322, %parallel_loop3A_335 : vector<16xf32>
          %parallel_loop3A_337 = arith.constant dense<true> : vector<16xi1>
          %parallel_loop3A_338 = arith.xori %parallel_loop3A_336, %parallel_loop3A_337 : vector<16xi1>
          %parallel_loop3A_339 = arith.andi %parallel_loop3A_334, %parallel_loop3A_338 : vector<16xi1>
          %parallel_loop3A_340 = vector.broadcast %scan3A_158 : i32 to vector<16xi32>
          %parallel_loop3A_341 = arith.andi %parallel_loop3A_332, %parallel_loop3A_340 : vector<16xi32>
          %parallel_loop3A_342 = vector.broadcast %scan3A_157 : i32 to vector<16xi32>
          %parallel_loop3A_343 = arith.cmpi eq, %parallel_loop3A_341, %parallel_loop3A_342 : vector<16xi32>
          %parallel_loop3A_344 = arith.andi %parallel_loop3A_339, %parallel_loop3A_343 : vector<16xi1>
          %parallel_loop3A_345 = vector.broadcast %sub3A_162 : i32 to vector<16xi32>
          %parallel_loop3A_346 = arith.shrui %parallel_loop3A_332, %parallel_loop3A_345 : vector<16xi32>
          %parallel_loop3A_347 = arith.constant 15 : i32
          %parallel_loop3A_348 = vector.broadcast %parallel_loop3A_347 : i32 to vector<16xi32>
          %parallel_loop3A_349 = arith.andi %parallel_loop3A_346, %parallel_loop3A_348 : vector<16xi32>
          %parallel_loop3A_350 = arith.constant 4 : i32
          %parallel_loop3A_351 = arith.addi %sub3A_162, %parallel_loop3A_350 : i32
          %parallel_loop3A_352 = vector.broadcast %parallel_loop3A_351 : i32 to vector<16xi32>
          %parallel_loop3A_353 = arith.shrui %parallel_loop3A_332, %parallel_loop3A_352 : vector<16xi32>
          %parallel_loop3A_354 = arith.constant 15 : i32
          %parallel_loop3A_355 = vector.broadcast %parallel_loop3A_354 : i32 to vector<16xi32>
          %parallel_loop3A_356 = arith.andi %parallel_loop3A_353, %parallel_loop3A_355 : vector<16xi32>
          %parallel_loop3A_357 = arith.constant 4 : i32
          %parallel_loop3A_358 = vector.broadcast %parallel_loop3A_357 : i32 to vector<16xi32>
          %parallel_loop3A_359 = arith.shli %parallel_loop3A_349, %parallel_loop3A_358 : vector<16xi32>
          %parallel_loop3A_360 = arith.ori %parallel_loop3A_359, %parallel_loop3A_356 : vector<16xi32>
          tpu.vector_store_idx %arg7[%parallel_loop3A_360], %broadcast_in_dim3A_1 masked %parallel_loop3A_344 {add = true} : memref<256xi32, #tpu.memory_space<vmem>>[vector<16xi32>], vector<16xi32>, vector<16xi1>
        } {sc.loop_unroll_factor = 2 : i64, sc.parallel_access}
        %get3A = arith.constant 0 : index
        %get3A_196 = tpu.vector_load %arg7[%get3A] {strides = array<i32>} : memref<256xi32, #tpu.memory_space<vmem>>, vector<16xi32>,
        %get3A_197 = arith.constant 16 : index
        %get3A_198 = tpu.vector_load %arg7[%get3A_197] {strides = array<i32>} : memref<256xi32, #tpu.memory_space<vmem>>, vector<16xi32>,
        %add3A_199 = arith.addi %get3A_196, %get3A_198 : vector<16xi32>
        %get3A_200 = arith.constant 32 : index
        %get3A_201 = tpu.vector_load %arg7[%get3A_200] {strides = array<i32>} : memref<256xi32, #tpu.memory_space<vmem>>, vector<16xi32>,
        %add3A_202 = arith.addi %add3A_199, %get3A_201 : vector<16xi32>
        %get3A_203 = arith.constant 48 : index
        %get3A_204 = tpu.vector_load %arg7[%get3A_203] {strides = array<i32>} : memref<256xi32, #tpu.memory_space<vmem>>, vector<16xi32>,
        %add3A_205 = arith.addi %add3A_202, %get3A_204 : vector<16xi32>
        %get3A_206 = arith.constant 64 : index
        %get3A_207 = tpu.vector_load %arg7[%get3A_206] {strides = array<i32>} : memref<256xi32, #tpu.memory_space<vmem>>, vector<16xi32>,
        %add3A_208 = arith.addi %add3A_205, %get3A_207 : vector<16xi32>
        %get3A_209 = arith.constant 80 : index
        %get3A_210 = tpu.vector_load %arg7[%get3A_209] {strides = array<i32>} : memref<256xi32, #tpu.memory_space<vmem>>, vector<16xi32>,
        %add3A_211 = arith.addi %add3A_208, %get3A_210 : vector<16xi32>
        %get3A_212 = arith.constant 96 : index
        %get3A_213 = tpu.vector_load %arg7[%get3A_212] {strides = array<i32>} : memref<256xi32, #tpu.memory_space<vmem>>, vector<16xi32>,
        %add3A_214 = arith.addi %add3A_211, %get3A_213 : vector<16xi32>
        %get3A_215 = arith.constant 112 : index
        %get3A_216 = tpu.vector_load %arg7[%get3A_215] {strides = array<i32>} : memref<256xi32, #tpu.memory_space<vmem>>, vector<16xi32>,
        %add3A_217 = arith.addi %add3A_214, %get3A_216 : vector<16xi32>
        %get3A_218 = arith.constant 128 : index
        %get3A_219 = tpu.vector_load %arg7[%get3A_218] {strides = array<i32>} : memref<256xi32, #tpu.memory_space<vmem>>, vector<16xi32>,
        %add3A_220 = arith.addi %add3A_217, %get3A_219 : vector<16xi32>
        %get3A_221 = arith.constant 144 : index
        %get3A_222 = tpu.vector_load %arg7[%get3A_221] {strides = array<i32>} : memref<256xi32, #tpu.memory_space<vmem>>, vector<16xi32>,
        %add3A_223 = arith.addi %add3A_220, %get3A_222 : vector<16xi32>
        %get3A_224 = arith.constant 160 : index
        %get3A_225 = tpu.vector_load %arg7[%get3A_224] {strides = array<i32>} : memref<256xi32, #tpu.memory_space<vmem>>, vector<16xi32>,
        %add3A_226 = arith.addi %add3A_223, %get3A_225 : vector<16xi32>
        %get3A_227 = arith.constant 176 : index
        %get3A_228 = tpu.vector_load %arg7[%get3A_227] {strides = array<i32>} : memref<256xi32, #tpu.memory_space<vmem>>, vector<16xi32>,
        %add3A_229 = arith.addi %add3A_226, %get3A_228 : vector<16xi32>
        %get3A_230 = arith.constant 192 : index
        %get3A_231 = tpu.vector_load %arg7[%get3A_230] {strides = array<i32>} : memref<256xi32, #tpu.memory_space<vmem>>, vector<16xi32>,
        %add3A_232 = arith.addi %add3A_229, %get3A_231 : vector<16xi32>
        %get3A_233 = arith.constant 208 : index
        %get3A_234 = tpu.vector_load %arg7[%get3A_233] {strides = array<i32>} : memref<256xi32, #tpu.memory_space<vmem>>, vector<16xi32>,
        %add3A_235 = arith.addi %add3A_232, %get3A_234 : vector<16xi32>
        %get3A_236 = arith.constant 224 : index
        %get3A_237 = tpu.vector_load %arg7[%get3A_236] {strides = array<i32>} : memref<256xi32, #tpu.memory_space<vmem>>, vector<16xi32>,
        %add3A_238 = arith.addi %add3A_235, %get3A_237 : vector<16xi32>
        %get3A_239 = arith.constant 240 : index
        %get3A_240 = tpu.vector_load %arg7[%get3A_239] {strides = array<i32>} : memref<256xi32, #tpu.memory_space<vmem>>, vector<16xi32>,
        %add3A_241 = arith.addi %add3A_238, %get3A_240 : vector<16xi32>
        %rev3A = arith.constant 15 : i32
        %rev3A_242 = vector.broadcast %rev3A : i32 to vector<16xi32>
        %rev3A_243 = tpu.iota {dimensions = array<i32: 0>} : vector<16xi32>
        %rev3A_244 = arith.subi %rev3A_242, %rev3A_243 : vector<16xi32>
        %rev3A_245 = tpu.dynamic_gather %add3A_241[%rev3A_244] in [0] : vector<16xi32>, vector<16xi32> -> vector<16xi32>
        %cumsum3A = arith.constant true
        %cumsum3A_246 = vector.broadcast %cumsum3A : i1 to vector<16xi1>
        %cumsum3A_247 = tpu.scan <sum>, %rev3A_245 masked %cumsum3A_246 : vector<16xi32>, vector<16xi1> -> vector<16xi32>
        %rev3A_248 = arith.constant 15 : i32
        %rev3A_249 = vector.broadcast %rev3A_248 : i32 to vector<16xi32>
        %rev3A_250 = tpu.iota {dimensions = array<i32: 0>} : vector<16xi32>
        %rev3A_251 = arith.subi %rev3A_249, %rev3A_250 : vector<16xi32>
        %rev3A_252 = tpu.dynamic_gather %cumsum3A_247[%rev3A_251] in [0] : vector<16xi32>, vector<16xi32> -> vector<16xi32>
        %ge3A_253 = vector.broadcast %scan3A_156 : i32 to vector<16xi32>
        %ge3A_254 = arith.cmpi sge, %rev3A_252, %ge3A_253 : vector<16xi32>
        %convert_element_type3A_255 = arith.extui %ge3A_254 : vector<16xi1> to vector<16xi32>
        %reduce_sum3A_256 = arith.constant true
        %reduce_sum3A_257 = vector.broadcast %reduce_sum3A_256 : i1 to vector<16xi1>
        %reduce_sum3A_258 = tpu.scan <sum>, %convert_element_type3A_255 masked %reduce_sum3A_257 : vector<16xi32>, vector<16xi1> -> vector<16xi32>
        %reduce_sum3A_259 = vector.extract %reduce_sum3A_258[15] : i32 from vector<16xi32>
        %sub3A_260 = arith.constant 1 : i32
        %sub3A_261 = arith.subi %reduce_sum3A_259, %sub3A_260 : i32
        %eq3A = vector.broadcast %reduce_sum3A_259 : i32 to vector<16xi32>
        %eq3A_262 = arith.cmpi eq, %iota3A, %eq3A : vector<16xi32>
        %jit3A_263 = arith.constant 0 : i32
        %broadcast_in_dim3A_264 = vector.broadcast %jit3A_263 : i32 to vector<16xi32>
        %select_n3A_265 = arith.select %eq3A_262, %rev3A_252, %broadcast_in_dim3A_264 : vector<16xi1>, vector<16xi32>
        %reduce_sum3A_266 = arith.constant true
        %reduce_sum3A_267 = vector.broadcast %reduce_sum3A_266 : i1 to vector<16xi1>
        %reduce_sum3A_268 = tpu.scan <sum>, %select_n3A_265 masked %reduce_sum3A_267 : vector<16xi32>, vector<16xi1> -> vector<16xi32>
        %reduce_sum3A_269 = vector.extract %reduce_sum3A_268[15] : i32 from vector<16xi32>
        %mul3A_270 = arith.constant 16 : i32
        %mul3A_271 = vector.broadcast %mul3A_270 : i32 to vector<16xi32>
        %mul3A_272 = arith.muli %iota3A, %mul3A_271 : vector<16xi32>
        %add3A_273 = vector.broadcast %sub3A_261 : i32 to vector<16xi32>
        %add3A_274 = arith.addi %mul3A_272, %add3A_273 : vector<16xi32>
        %gather3A = tpu.vector_load_idx %arg7[%add3A_274] : memref<256xi32, #tpu.memory_space<vmem>>[vector<16xi32>], vector<16xi32>,
        %rev3A_275 = arith.constant 15 : i32
        %rev3A_276 = vector.broadcast %rev3A_275 : i32 to vector<16xi32>
        %rev3A_277 = tpu.iota {dimensions = array<i32: 0>} : vector<16xi32>
        %rev3A_278 = arith.subi %rev3A_276, %rev3A_277 : vector<16xi32>
        %rev3A_279 = tpu.dynamic_gather %gather3A[%rev3A_278] in [0] : vector<16xi32>, vector<16xi32> -> vector<16xi32>
        %cumsum3A_280 = arith.constant true
        %cumsum3A_281 = vector.broadcast %cumsum3A_280 : i1 to vector<16xi1>
        %cumsum3A_282 = tpu.scan <sum>, %rev3A_279 masked %cumsum3A_281 : vector<16xi32>, vector<16xi1> -> vector<16xi32>
        %rev3A_283 = arith.constant 15 : i32
        %rev3A_284 = vector.broadcast %rev3A_283 : i32 to vector<16xi32>
        %rev3A_285 = tpu.iota {dimensions = array<i32: 0>} : vector<16xi32>
        %rev3A_286 = arith.subi %rev3A_284, %rev3A_285 : vector<16xi32>
        %rev3A_287 = tpu.dynamic_gather %cumsum3A_282[%rev3A_286] in [0] : vector<16xi32>, vector<16xi32> -> vector<16xi32>
        %add3A_288 = vector.broadcast %reduce_sum3A_269 : i32 to vector<16xi32>
        %add3A_289 = arith.addi %rev3A_287, %add3A_288 : vector<16xi32>
        %ge3A_290 = vector.broadcast %scan3A_156 : i32 to vector<16xi32>
        %ge3A_291 = arith.cmpi sge, %add3A_289, %ge3A_290 : vector<16xi32>
        %convert_element_type3A_292 = arith.extui %ge3A_291 : vector<16xi1> to vector<16xi32>
        %reduce_sum3A_293 = arith.constant true
        %reduce_sum3A_294 = vector.broadcast %reduce_sum3A_293 : i1 to vector<16xi1>
        %reduce_sum3A_295 = tpu.scan <sum>, %convert_element_type3A_292 masked %reduce_sum3A_294 : vector<16xi32>, vector<16xi1> -> vector<16xi32>
        %reduce_sum3A_296 = vector.extract %reduce_sum3A_295[15] : i32 from vector<16xi32>
        %eq3A_297 = vector.broadcast %reduce_sum3A_296 : i32 to vector<16xi32>
        %eq3A_298 = arith.cmpi eq, %iota3A, %eq3A_297 : vector<16xi32>
        %jit3A_299 = arith.constant 0 : i32
        %broadcast_in_dim3A_300 = vector.broadcast %jit3A_299 : i32 to vector<16xi32>
        %select_n3A_301 = arith.select %eq3A_298, %add3A_289, %broadcast_in_dim3A_300 : vector<16xi1>, vector<16xi32>
        %reduce_sum3A_302 = arith.constant true
        %reduce_sum3A_303 = vector.broadcast %reduce_sum3A_302 : i1 to vector<16xi1>
        %reduce_sum3A_304 = tpu.scan <sum>, %select_n3A_301 masked %reduce_sum3A_303 : vector<16xi32>, vector<16xi1> -> vector<16xi32>
        %reduce_sum3A_305 = vector.extract %reduce_sum3A_304[15] : i32 from vector<16xi32>
        %eq3A_306 = arith.constant 16 : i32
        %eq3A_307 = arith.cmpi eq, %reduce_sum3A_296, %eq3A_306 : i32
        %select_n3A_308 = arith.select %eq3A_307, %reduce_sum3A_269, %reduce_sum3A_305 : i32
        %mul3A_309 = arith.constant 16 : i32
        %mul3A_310 = arith.muli %sub3A_261, %mul3A_309 : i32
        %add3A_311 = arith.addi %mul3A_310, %reduce_sum3A_296 : i32
        %sub3A_312 = arith.constant 1 : i32
        %sub3A_313 = arith.subi %add3A_311, %sub3A_312 : i32
        %sub3A_314 = arith.subi %scan3A_156, %select_n3A_308 : i32
        %shift_left3A = arith.shli %sub3A_313, %sub3A_162 : i32
        %or3A = arith.ori %scan3A_157, %shift_left3A : i32
        %shift_left3A_315 = arith.constant 255 : i32
        %shift_left3A_316 = arith.shli %shift_left3A_315, %sub3A_162 : i32
        %or3A_317 = arith.ori %scan3A_158, %shift_left3A_316 : i32
        scf.yield %sub3A_314, %or3A, %or3A_317 : i32, i32, i32
      }
      %scan3A_133 = arith.constant 4 : i32
      %lt3A_134 = arith.constant 0 : i32
      %lt3A_135 = arith.cmpi slt, %scan3A_132#1, %lt3A_134 : i32
      %xor3A = arith.constant -2147483648 : i32
      %xor3A_136 = arith.xori %scan3A_132#1, %xor3A : i32
      %not3A_137 = arith.constant -1 : i32
      %not3A_138 = arith.xori %scan3A_132#1, %not3A_137 : i32
      %select_n3A_139 = arith.select %lt3A_135, %xor3A_136, %not3A_138 : i32
      %broadcast_in_dim3A_140 = vector.broadcast %select_n3A_139 : i32 to vector<16xi32>
      %bitcast3A = vector.bitcast %broadcast_in_dim3A_140 : vector<16xi32> to vector<16xf32>
      %gt3A = arith.constant 0 : i32
      %gt3A_141 = arith.cmpi sgt, %scan3A_59, %gt3A : i32
      %convert_element_type3A_142 = arith.extui %gt3A_141 : i1 to i32
      %cond3A_143 = arith.constant 0 : i32
      %cond3A_144 = arith.cmpi ne, %convert_element_type3A_142, %cond3A_143 : i32
      scf.if %cond3A_144 {
        %dma_wait3A_155 = arith.constant 0 : i32
        %dma_wait3A_156 = tpu.memref_slice %arg2[%mul3A_5, %dma_wait3A_155] : memref<64x8192xf32, #tpu.memory_space<hbm>> -> memref<1x8192xf32, #tpu.memory_space<hbm>>
        %dma_wait3A_157 = tpu.memref_squeeze %dma_wait3A_156 : memref<1x8192xf32, #tpu.memory_space<hbm>> -> memref<8192xf32, #tpu.memory_space<hbm>>
        %dma_wait3A_158 = arith.constant 0 : i32
        %dma_wait3A_159 = tpu.memref_slice %arg2[%mul3A_5, %dma_wait3A_158] : memref<64x8192xf32, #tpu.memory_space<hbm>> -> memref<1x8192xf32, #tpu.memory_space<hbm>>
        %dma_wait3A_160 = tpu.memref_squeeze %dma_wait3A_159 : memref<1x8192xf32, #tpu.memory_space<hbm>> -> memref<8192xf32, #tpu.memory_space<hbm>>
        tpu.wait_dma2 semaphore(%arg10 : memref<!tpu.dma_semaphore, #tpu.memory_space<semaphore_mem>>) src(%dma_wait3A_160 : memref<8192xf32, #tpu.memory_space<hbm>>) dst(%arg5 : memref<8192xf32, #tpu.memory_space<vmem>>)
      } else {
      }
      %parallel_loop3A_145 = arith.constant 0 : i32
      %parallel_loop3A_146 = arith.constant 512 : i32
      %parallel_loop3A_147 = arith.constant 1 : i32
      scf.for %parallel_loop3A_155 = %parallel_loop3A_145 to %parallel_loop3A_146 step %parallel_loop3A_147  : i32 {
        %parallel_loop3A_156 = arith.constant 16 : i32
        %parallel_loop3A_157 = arith.muli %parallel_loop3A_155, %parallel_loop3A_156 : i32
        %parallel_loop3A_158 = arith.addi %mul3A_61, %parallel_loop3A_157 : i32
        %parallel_loop3A_159 = arith.index_cast %parallel_loop3A_158 : i32 to index
        %parallel_loop3A_160 = tpu.vector_load %arg4[%parallel_loop3A_159] {strides = array<i32>} : memref<16384xf32, #tpu.memory_space<vmem>>, vector<16xf32>,
        %parallel_loop3A_161 = arith.cmpf oge, %parallel_loop3A_160, %bitcast3A : vector<16xf32>
        %parallel_loop3A_162 = arith.constant 0.000000e+00 : f32
        %parallel_loop3A_163 = vector.broadcast %parallel_loop3A_162 : f32 to vector<16xf32>
        %parallel_loop3A_164 = arith.select %parallel_loop3A_161, %parallel_loop3A_160, %parallel_loop3A_163 : vector<16xi1>, vector<16xf32>
        %parallel_loop3A_165 = arith.constant 16 : i32
        %parallel_loop3A_166 = arith.muli %parallel_loop3A_155, %parallel_loop3A_165 : i32
        %parallel_loop3A_167 = arith.index_cast %parallel_loop3A_166 : i32 to index
        %parallel_loop3A_168 = tpu.vector_load %arg5[%parallel_loop3A_167] {strides = array<i32>} : memref<8192xf32, #tpu.memory_space<vmem>>, vector<16xf32>,
        tpu.vector_store %arg5[%parallel_loop3A_167], %parallel_loop3A_164 {strides = array<i32>} : memref<8192xf32, #tpu.memory_space<vmem>>, vector<16xf32>,
      } {sc.loop_unroll_factor = 8 : i64, sc.parallel_access}
      %add3A_148 = arith.addi %mul3A_5, %scan3A_59 : i32
      %dma_start3A_149 = arith.constant 0 : i32
      %dma_start3A_150 = tpu.memref_slice %arg3[%add3A_148, %dma_start3A_149] : memref<64x8192xf32, #tpu.memory_space<hbm>> -> memref<1x8192xf32, #tpu.memory_space<hbm>>
      %dma_start3A_151 = tpu.memref_squeeze %dma_start3A_150 : memref<1x8192xf32, #tpu.memory_space<hbm>> -> memref<8192xf32, #tpu.memory_space<hbm>>
      %dma_start3A_152 = arith.constant 0 : i32
      %dma_start3A_153 = tpu.memref_slice %arg3[%add3A_148, %dma_start3A_152] : memref<64x8192xf32, #tpu.memory_space<hbm>> -> memref<1x8192xf32, #tpu.memory_space<hbm>>
      %dma_start3A_154 = tpu.memref_squeeze %dma_start3A_153 : memref<1x8192xf32, #tpu.memory_space<hbm>> -> memref<8192xf32, #tpu.memory_space<hbm>>
      tpu.enqueue_dma source(%arg5 : memref<8192xf32, #tpu.memory_space<vmem>>) target(%dma_start3A_154 : memref<8192xf32, #tpu.memory_space<hbm>>) target_semaphore(%arg10 : memref<!tpu.dma_semaphore, #tpu.memory_space<semaphore_mem>>)
    }
    %scan3A_52 = arith.constant 2 : i32
    %dma_wait3A_53 = arith.constant 0 : i32
    %dma_wait3A_54 = tpu.memref_slice %arg2[%mul3A_5, %dma_wait3A_53] : memref<64x8192xf32, #tpu.memory_space<hbm>> -> memref<1x8192xf32, #tpu.memory_space<hbm>>
    %dma_wait3A_55 = tpu.memref_squeeze %dma_wait3A_54 : memref<1x8192xf32, #tpu.memory_space<hbm>> -> memref<8192xf32, #tpu.memory_space<hbm>>
    %dma_wait3A_56 = arith.constant 0 : i32
    %dma_wait3A_57 = tpu.memref_slice %arg2[%mul3A_5, %dma_wait3A_56] : memref<64x8192xf32, #tpu.memory_space<hbm>> -> memref<1x8192xf32, #tpu.memory_space<hbm>>
    %dma_wait3A_58 = tpu.memref_squeeze %dma_wait3A_57 : memref<1x8192xf32, #tpu.memory_space<hbm>> -> memref<8192xf32, #tpu.memory_space<hbm>>
    tpu.wait_dma2 semaphore(%arg10 : memref<!tpu.dma_semaphore, #tpu.memory_space<semaphore_mem>>) src(%dma_wait3A_58 : memref<8192xf32, #tpu.memory_space<hbm>>) dst(%arg5 : memref<8192xf32, #tpu.memory_space<vmem>>)
    return
  }
}

</mosaic_0001>

<sc_bundles>
// kernel: kernel.3.cloned.1.call-start
scs
__scs_entry_jumppad:
0x0: {  	(pc) =	sbr.rel $0x88, $3  }
0x1: {  	(tag) =	ssettag $0x0;
	lr =	simm.s32 $0x1  }
0x2: {  	[smem:$0x3FA0] =	sst lr;
	_ =	strace $0xD0000000  }
0x3: {  	_ = 	snop  }
0x4: {  	_ = 	snop  }
0x5: {  	_ = 	snop  }
0x6: {  	_ = 	snop  }
0x7: {  	_ = 	snop  }
__scs_overlays_trampoline_lowered:
0x8: {  	[smem:$0x3FAF] =	sst s0  }
0x9: {  	[smem:$0x3FB0] =	sst s1  }
0xa: {  	[smem:$0x3FB1] =	sst s2  }
0xb: {  	[smem:$0x3FB2] =	sst s3  }
0xc: {  	[smem:$0x3FB3] =	sst s4  }
0xd: {  	[smem:$0x3FB4] =	sst s5  }
0xe: {  	[smem:$0x3FB5] =	sst s6  }
0xf: {  	[smem:$0x3FB6] =	sst s7  }
0x10: {  	[smem:$0x3FB7] =	sst s8  }
0x11: {  	[smem:$0x3FB8] =	sst s9;
	s0 =	simm.s32 @!p0 $0x0  }
0x12: {  	s1 =	sld [smem:$0x3F9E];
	s0 =	simm.s32 @p0 $0x1  }
0x13: {  	[smem:$0x3FB9] =	sst s0;
	s0 =	simm.s32 @!p1 $0x0  }
0x14: {  	s2 =	sld [smem:$0x3F9D];
	s0 =	simm.s32 @p1 $0x1  }
0x15: {  	[smem:$0x3FBA] =	sst s0;
	s0 =	simm.s32 @!p2 $0x0  }
0x16: {  	s3 =	sld [smem:$0x3FDB];
	s0 =	simm.s32 @p2 $0x1  }
0x17: {  	s4 =	simm.s32 $0x1BF5;
	[smem:$0x3FBC] =	sst s0  }
0x18: {  	s0 =	sld [smem:$0x3F9F];
	_ =	swait.ge [sflag:s4], $0x0  }
0x19: {  	s7 =	sld [smem:$0x3FA0]  }
0x1a: {  	s8 =	sadd.s32 $0xFFFFE003, lr  }
0x1b: {  	s9 =	sadd.s32 $0xFFFFFEF7, lr;
	s5 =	simm.s32 $0xFFFFFFFF;
	p2 =	slt.u32 s8, $0xFFFFF086  }
0x1c: {  	p1 =	slt.u32 s9, $0xF7A;
	s5 =	simm.s32 @!p2 $0x0  }
0x1d: {  	s5 =	simm.s32 @p1 $0x1;
	p0 =	seq.s32 s7, s2  }
0x1e: {  	s7 =	smul.u32 @!p0 $0xF7A, s2;
	p2 =	seq.s32 @!p0 s5, $0x0  }
0x1f: {  	s9 =	smul.u32 $0xF7A, s1;
	s8 =	simm.s32 @!p0 $0x1BF5;
	p2 =	por !p2, p0  }
0x20: {  	[sflag:s8] =	ssyncset.s32 @!p0 $0xFFFFF086;
	s6 =	sadd.s32 @!p0 s3, s7;
	s7 =	simm.s32 @!p0 $0x108  }
0x21: {  	s3 =	sadd.s32 s3, s9;
	s6 =	sadd.s32 @!p0 $0x88, s6;
	s7 =	simm.s32 @p2 $0x1082  }
0x22: {  	[simem:s7], [sflag:s8] =	dma.local @!p0 [hbm:s6], $0xF7A  }
0x23: {  	s9 =	sor.u32 $0xD0000000, s2;
	s6 =	simm.s32 $0x108;
	_ =	swait.ge @!p0 [sflag:s8], $0x0  }
0x24: {  	s3 =	sadd.s32 $0x88, s3;
	s6 =	simm.s32 @!p1 $0x1082;
	[sflag:s4] =	ssyncset.s32 $0xFFFFF086  }
0x25: {  	[simem:s6], [sflag:s4] =	dma.local [hbm:s3], $0xF7A  }
0x26: {  	[smem:$0x3FA0] =	sst s1;
	(tag) =	ssettag s2;
	_ =	strace s9  }
0x27: {  	s1 =	sld [smem:$0x3FB0]  }
0x28: {  	s2 =	sld [smem:$0x3FB1]  }
0x29: {  	s4 =	sld [smem:$0x3FB3]  }
0x2a: {  	p0 =	seq.s32 s5, $0x0;
	s5 =	sld [smem:$0x3FB4]  }
0x2b: {  	s6 =	sld [smem:$0x3FB5]  }
0x2c: {  	s7 =	sld [smem:$0x3FB6]  }
0x2d: {  	s3 =	simm.s32 $0x108;
	s8 =	sld [smem:$0x3FB7]  }
0x2e: {  	s3 =	simm.s32 @!p0 $0x1082;
	s9 =	sld [smem:$0x3FB8]  }
0x2f: {  	lr =	sadd.s32 s0, s3;
	s0 =	sld [smem:$0x3FAF]  }
0x30: {  	s3 =	sld [smem:$0x3FB2]  }
0x31: {  	[smem:$0x3FBB] =	sst s10  }
0x32: {  	s10 =	sld [smem:$0x3FB9];
	_ =	sdelay $0x3  }
0x33: {  	p0 =	seq.s32 s10, $0x1;
	s10 =	sld [smem:$0x3FBB];
	_ =	sdelay $0x3  }
0x34: {  	[smem:$0x3FBB] =	sst s10  }
0x35: {  	s10 =	sld [smem:$0x3FBA];
	_ =	sdelay $0x3  }
0x36: {  	p1 =	seq.s32 s10, $0x1;
	s10 =	sld [smem:$0x3FBB];
	_ =	sdelay $0x3  }
0x37: {  	[smem:$0x3FBB] =	sst s10  }
0x38: {  	s10 =	sld [smem:$0x3FBC]  }
0x39: {  	_ = 	snop;
	(pc) =	sbr.ind lr, $3  }
0x3a: {  	_ = 	snop  }
0x3b: {  	_ = 	snop  }
0x3c: {  	p2 =	seq.s32 s10, $0x1;
	s10 =	sld [smem:$0x3FBB]  }
0x3d: {  	_ =	shalt  }
0x3e: {  	_ =	shalt  }
0x3f: {  	_ =	shalt  }
0x40: {  	_ =	shalt  }
0x41: {  	_ =	shalt  }
0x42: {  	_ =	shalt  }
0x43: {  	_ =	shalt  }
0x44: {  	_ =	shalt  }
0x45: {  	_ =	shalt  }
0x46: {  	_ =	shalt  }
0x47: {  	_ =	shalt  }
0x48: {  	_ =	shalt  }
0x49: {  	_ =	shalt  }
0x4a: {  	_ =	shalt  }
0x4b: {  	_ =	shalt  }
0x4c: {  	_ =	shalt  }
0x4d: {  	_ =	shalt  }
0x4e: {  	_ =	shalt  }
0x4f: {  	_ =	shalt  }
0x50: {  	_ =	shalt  }
0x51: {  	_ =	shalt  }
0x52: {  	_ =	shalt  }
0x53: {  	_ =	shalt  }
0x54: {  	_ =	shalt  }
0x55: {  	_ =	shalt  }
0x56: {  	_ =	shalt  }
0x57: {  	_ =	shalt  }
0x58: {  	_ =	shalt  }
0x59: {  	_ =	shalt  }
0x5a: {  	_ =	shalt  }
0x5b: {  	_ =	shalt  }
0x5c: {  	_ =	shalt  }
0x5d: {  	_ =	shalt  }
0x5e: {  	_ =	shalt  }
0x5f: {  	_ =	shalt  }
0x60: {  	_ =	shalt  }
0x61: {  	_ =	shalt  }
0x62: {  	_ =	shalt  }
0x63: {  	_ =	shalt  }
0x64: {  	_ =	shalt  }
0x65: {  	_ =	shalt  }
0x66: {  	_ =	shalt  }
0x67: {  	_ =	shalt  }
0x68: {  	_ =	shalt  }
0x69: {  	_ =	shalt  }
0x6a: {  	_ =	shalt  }
0x6b: {  	_ =	shalt  }
0x6c: {  	_ =	shalt  }
0x6d: {  	_ =	shalt  }
0x6e: {  	_ =	shalt  }
0x6f: {  	_ =	shalt  }
0x70: {  	_ =	shalt  }
0x71: {  	_ =	shalt  }
0x72: {  	_ =	shalt  }
0x73: {  	_ =	shalt  }
0x74: {  	_ =	shalt  }
0x75: {  	_ =	shalt  }
0x76: {  	_ =	shalt  }
0x77: {  	_ =	shalt  }
0x78: {  	_ =	shalt  }
0x79: {  	_ =	shalt  }
0x7a: {  	_ =	shalt  }
0x7b: {  	_ =	shalt  }
0x7c: {  	_ =	shalt  }
0x7d: {  	_ =	shalt  }
0x7e: {  	_ =	shalt  }
0x7f: {  	_ =	shalt  }
0x80: {  	_ =	shalt  }
0x81: {  	_ =	shalt  }
0x82: {  	_ =	shalt  }
0x83: {  	_ =	shalt  }
0x84: {  	_ =	shalt  }
0x85: {  	_ =	shalt  }
0x86: {  	_ =	shalt  }
0x87: {  	_ =	shalt  }
.Lfunc_end0:
.L_simem_size_0:
called_computation_lowered:
.L_overlay_start_0:
0x88: {  	s2 =	sld [smem:$0x3FD9]  }
0x89: {  	s3 =	sld [smem:$0x3FFE];
	_ =	sdelay $0x1  }
0x8a: {  	s1 =	srdreg.scid  }
0x8b: {  	s0 =	sand.u32 $0x1, s1  }
0x8c: {  	s18 =	sshll.u32 s0, $0xA;
	s2 =	sadd.s32 s3, s2  }
0x8d: {  	s2 =	sadd.s32 s2, s18  }
0x8e: {  	[smem:$0x3FC7] =	sst s2  }
0x8f: {  	_ = 	snop  }
0x90: {  	s2 =	sld [smem:$0x3FC9]  }
0x91: {  	s19 =	sld [smem:$0x3FD0];
	(tm) =	ssettm $0x1  }
0x92: {  	s4 =	sld [smem:$0x3FFB];
	_ =	sdelay $0x3  }
0x93: {  	_ =	strace s4  }
0x94: {  	s4 =	sld [smem:$0x3FFC];
	_ =	sdelay $0x3  }
0x95: {  	_ =	strace s4  }
0x96: {  	s4 =	sld [smem:$0x3FFD];
	_ =	sdelay $0x3  }
0x97: {  	_ =	strace s4  }
0x98: {  	_ =	strace $0x8FFFFFFF  }
0x99: {  	s20 =	sld [smem:$0x3FDB];
	_ =	sdelay $0x1  }
0x9a: {  	s5 =	simm.s32 $_scs_section_size  }
0x9b: {  	s6 =	simm.s32 $_size__tile_overlayer_lowered;
	s7 =	simm.s32 $_tile_overlayer_lowered  }
0x9c: {  	s23 =	simm.s32 $0x1BFF;
	s22 =	sshll.u32 s7, $0x1;
	s4 =	sadd.s32 s5, s20  }
0x9d: {  	s8 =	simm.s32 $0x0;
	s21 =	sshll.u32 s6, $0x1;
	s6 =	sadd.s32 s22, s4  }
0x9e: {  	[timem:s8], [sflag:s23] =	dma.local [hbm:s6], s21  }
0x9f: {  	_ =	swait.ge [sflag:s23], s21  }
0xa0: {  	s5 =	ssub.s32 $0x0, s21;
	[sflag:s23] =	ssyncset.done $0x0  }
0xa1: {  	[sflag:s23] =	ssyncadd.s32 s5;
	_ =	sdelay $0x1  }
0xa2: {  	s24 =	simm.s32 $0x1B8B  }
0xa3: {  	_ =	swait.ge [sflag:s24], $0x1  }
0xa4: {  	[sflag:s24] =	ssyncset.done $0x0  }
0xa5: {  	s25 =	simm.s32 $0x1B8E;
	[sflag:s24] =	ssyncadd.s32 $0xFFFFFFFF  }
0xa6: {  	s26 =	simm.s32 $execute0_lowered;
	[smem:$0x3FD2] =	sst s25  }
0xa7: {  	s5 =	sshll.u32 s26, $0x1;
	_ =	strace $0x80000046;
	[dreg:$0x1] =	wrdreg $0xFFFFFFFF  }
0xa8: {  	s28 =	simm.s32 $_size_execute0_lowered;
	s4 =	sadd.s32 s4, s5;
	[dreg:$0x0] =	wrdreg $0x0  }
0xa9: {  	s5 =	sshll.u32 s28, $0x1;
	[dreg:$0x2] =	wrdreg s4  }
0xaa: {  	[dreg:$0x3] =	wrdreg s5  }
0xab: {  	[dreg:$0x4] =	wrdreg $0xC0  }
0xac: {  	_ =	task [dreg:s8], $0x5FFFF  }
0xad: {  	[dreg:$0x1] =	wrdreg $0xFFFFFFFF  }
0xae: {  	[dreg:$0x0] =	wrdreg $0x60  }
0xaf: {  	[dreg:$0x2] =	wrdreg s2  }
0xb0: {  	[dreg:$0x3] =	wrdreg s19  }
0xb1: {  	[dreg:$0x4] =	wrdreg $0x9  }
0xb2: {  	_ =	task.clear_ibuf [dreg:s8], $0x5FFFF;
	_ =	strace $0x90000046  }
0xb3: {  	s29 =	simm.s32 $0x9;
	_ =	strace $0x80000048  }
0xb4: {  	_ =	swait.ge [sflag:s29], $0x1  }
0xb5: {  	[sflag:s29] =	ssyncadd.s32 $0xFFFFFFFF  }
0xb6: {  	_ =	strace $0x90000048  }
0xb7: {  	_ =	sfence  }
0xb8: {  	s30 =	sld [smem:$0x0];
	_ =	sdelay $0x2  }
0xb9: {  	s31 =	sshll.u32 s1, $0xD;
	s1 =	sshrl.u32 s1, $0x2  }
0xba: {  	s3 =	sand.u32 $0x4000, s31;
	s1 =	sadd.s32 s1, s30  }
0xbb: {  	s0 =	sor.u32 s3, s0;
	s1 =	sshll.u32 s1, $0x11  }
0xbc: {  	s0 =	sor.u32 s1, s0  }
0xbd: {  	s0 =	sadd.s32 $0x8F2B, s0  }
0xbe: {  	[sflag:s0] =	ssyncadd.remote.s32 $0x1  }
0xbf: {  	_ =	sfence.sel $0xFFFF  }
0xc0: {  	[dreg:$0x0] =	wrdreg $0xFFFFFFFF;
	(pc) =	sbr.abs _section_cstart, $3  }
0xc1: {  	[dreg:$0x1] =	wrdreg $0xFFFFFFFF  }
0xc2: {  	_ =	task.clear_ibuf [dreg:s8], $0x2FFFF;
	_ =	strace $0x9FFFFFFF  }
0xc3: {  	(tm) =	ssettm $0x7FFFFFFF  }
tec
execute0_lowered:
.L_overlay_start_1:
0x0: {  	(tag) =	ssettag $0x1  }
0x1: {  	s0 =	srdreg.scid  }
0x2: {  	s1 =	rddreg [dreg:$0x0];
	s4 =	stileid.u32  }
0x3: {  	s6 =	rddreg [dreg:$0x1];
	s31 =	simm.s32 $0x0;
	s9 =	simm.s32 $0x400  }
0x4: {  	s11 =	simm.s32 $0x1;
	s12 =	simm.s32 $0x2;
	s13 =	simm.s32 $0x6000  }
0x5: {  	s14 =	simm.s32 $0x8080;
	s15 =	simm.s32 $0xFF000000;
	s0 =	sand.u32 $0x1, s0  }
0x6: {  	s16 =	simm.s32 $0x4000;
	s2 =	sshll.u32 s4, $0x2;
	s3 =	sshll.u32 s0, $0x1  }
0x7: {  	s17 =	simm.s32 $0x3;
	s18 =	simm.s32 $0x0;
	s2 =	sor.u32 s3, s2  }
0x8: {  	s4 =	sshll.u32 s4, $0xC;
	[smem:$0x7FF] =	sst s31;
	s5 =	sshll.u32 s2, $0x4  }
0x9: {  	_ =	strace $0x80000047;
	s0 =	ssub.s32 $0x2, s0;
	s5 =	sor.u32 s4, s5  }
0xa: {  	s8 =	sand.u32 $0xE000, s4;
	s7 =	sshrl.u32 s0, $0x1;
	s5 =	sand.u32 $0xE060, s5  }
0xb: {  	s6 =	sadd.s32 s6, s8;
	s0 =	ssub.s32 s0, s7;
	s4 =	sadd.s32 s1, s5  }
0xc: {  	v0 =	vimm.s32 $0x0;
	v1 =	vlaneseq.u32;
	v2 =	vimm.s32 $0x1;
	s8 =	simm.s32 $0x80;
	s7 =	smax.u32 s0, $0x1;
	s5 =	sadd.s32 $0x10, s4  }
.LBB2_1:
0xd: {  	s0 =	simm.s32 $0x0  }
0xe: {  	[tilespmem:s0], [sflag:$0x1] =	stream.strided.gather [hbm4b:s4+s8], $0x2000, s9, s8, $0x38;
	[tilespmem:$0x8180] =	vst v63  }
0xf: {  	s31 =	simm.s32 $0x2000  }
0x10: {  	[tilespmem:s31], [sflag:$0x2] =	stream.strided.gather [hbm4b:s5+s8], $0x2000, s9, s8, $0x38;
	[tilespmem:$0x8180] =	vst v63  }
0x11: {  	_ =	swait.ge [sflag:s11], $0x2000  }
0x12: {  	[sflag:s11] =	ssyncset.done $0x0  }
0x13: {  	[sflag:s11] =	ssyncadd.s32 $0xFFFFE000  }
0x14: {  	_ =	swait.ge [sflag:s12], $0x2000  }
0x15: {  	p2 =	por $0x1, $0x1;
	[sflag:s12] =	ssyncset.done $0x0  }
0x16: {  	p1 =	por $0x0, $0x0;
	s19 =	simm.s32 $0x0;
	[sflag:s12] =	ssyncadd.s32 $0xFFFFE000  }
.LBB2_2:
0x17: {  	s0 =	sshll.u32 s19, $0xF  }
0x18: {  	s0 =	sshra.s32 s0, $0x2  }
0x19: {  	s20 =	sor.u32 $0x40, s0  }
0x1a: {  	v10 =	vld [tilespmem:s20+$0xFFFFFFD0]  }
0x1b: {  	v3 =	vld [tilespmem:s20+$0x10]  }
0x1c: {  	v5 =	vld [tilespmem:s20+$0x0]  }
0x1d: {  	v4 =	vld [tilespmem:s20+$0xFFFFFFF0]  }
0x1e: {  	v9 =	vld [tilespmem:s20+$0xFFFFFFC0]  }
0x1f: {  	v8 =	vld [tilespmem:s20+$0xFFFFFFE0]  }
0x20: {  	v7 =	vld [tilespmem:s20+$0x20];
	_ =	sdelay $0x1  }
0x21: {  	v14 =	vimm.s32 $0x0;
	vm1 =	vge.f32 v10, $9.200000160e-01;
	vm0 =	vge.f32 v10, $7.599999900e-01  }
0x22: {  	vm7 =	vge.f32 v3, $9.200000160e-01;
	vm2 =	vge.f32 v3, $7.599999900e-01;
	vm3 =	vge.f32 v5, $9.200000160e-01  }
0x23: {  	vm4 =	vge.f32 v5, $7.599999900e-01;
	vm5 =	vge.f32 v4, $7.599999900e-01;
	vm8 =	vge.f32 v9, $9.200000160e-01  }
0x24: {  	vm10 =	vge.f32 v4, $9.200000160e-01;
	vm9 =	vge.f32 v8, $9.200000160e-01;
	vm11 =	vge.f32 v7, $7.599999900e-01  }
0x25: {  	v6 =	vld [tilespmem:s20+$0x30];
	vm0 =	vmxor vm1, vm0;
	v12 =	vsel vm1, $0x1, v0;
	vm1 =	vmxor vm3, vm4  }
0x26: {  	vm4 =	vge.f32 v9, $7.599999900e-01;
	v16 =	vsel vm3, $0x1, v0;
	v11 =	vsel vm0, $0x1, v0  }
0x27: {  	vm6 =	vmxor vm7, vm2;
	v13 =	vsel vm1, $0x1, v0;
	vm4 =	vmxor vm8, vm4;
	(xrf0) =	vadd.scan.msk.s32 $0xffff, v11  }
0x28: {  	vm3 =	vge.f32 v8, $7.599999900e-01;
	vm2 =	vmxor vm10, vm5;
	v11 =	vsel vm4, $0x1, v0;
	(xrf0) =	vadd.scan.msk.s32 $0xffff, v13  }
0x29: {  	v17 =	vsel vm8, $0x1, v0;
	v15 =	vmpcnt.ones.xlane vm0;
	vm5 =	vmxor vm9, vm3;
	(xrf0) =	vadd.scan.msk.s32 $0xffff, v11  }
0x2a: {  	vm3 =	vge.f32 v6, $7.599999900e-01;
	v17 =	vadd.s32 v17, v14;
	v19 =	vsel vm2, $0x1, v0  }
0x2b: {  	v18 =	vmpcnt.ones.xlane vm5;
	v13 =	vmpcnt.ones.xlane vm4;
	v11 =	vsel vm5, $0x1, v0  }
0x2c: {  	vm8 =	vge.f32 v6, $9.200000160e-01;
	v12 =	vadd.s32 v12, v17;
	v17 =	vsel vm9, $0x1, v0;
	(xrf0) =	vadd.scan.msk.s32 $0xffff, v11  }
0x2d: {  	vm9 =	vge.f32 v7, $9.200000160e-01;
	vm3 =	vmxor vm8, vm3;
	v21 =	vadd.s32 v14, v13;
	(xrf0) =	vadd.scan.msk.s32 $0xffff, v19;
	v20, _, _ =	vpop (xrf0)  }
0x2e: {  	v17 =	vadd.s32 v17, v12;
	v13 =	vadd.s32 v21, v15;
	v15 =	vsel vm10, $0x1, v0;
	v11, _, _ =	vpop (xrf0)  }
0x2f: {  	v12 =	vadd.s32 v13, v18;
	v15 =	vadd.s32 v15, v17;
	v17 =	vsel vm6, $0x1, v0;
	v18, _, _ =	vpop (xrf0)  }
0x30: {  	v16 =	vadd.s32 v16, v15;
	(xrf0) =	vadd.scan.msk.s32 $0xffff, v17;
	v14 =	vadd.s32 v18, v14;
	v18 =	vadd.s32 v20, v21  }
0x31: {  	v21 =	vsel vm7, $0x1, v0;
	v20 =	vmpcnt.ones.xlane vm2;
	vm7 =	vmxor vm9, vm11  }
0x32: {  	v19, _, _ =	vpop (xrf0);
	v15 =	vadd.s32 $0xFFFFFFFF, v14;
	v14 =	vadd.s32 $0xFFFFFFFF, v18;
	v22 =	vsel vm7, $0x1, v0  }
0x33: {  	p0 =	por p2, p2;
	s21 =	simm.s32 $0x0;
	s22 =	sadd.s32 $0x80, s20;
	v16 =	vadd.s32 v21, v16;
	v17 =	vmpcnt.ones.xlane vm7;
	v21 =	vsel vm3, $0x1, v0;
	(xrf0) =	vadd.scan.msk.s32 $0xffff, v22;
	v18, _, _ =	vpop (xrf0)  }
.LBB2_3:
0x34: {  	v22 =	vld [tilespmem:s22+$0xFFFFFFD0];
	s21 =	sadd.s32 $0x8, s21;
	v13 =	vadd.s32 v19, v13;
	v19 =	vadd.s32 v12, v20;
	v20 =	vmpcnt.ones.xlane vm3;
	(xrf0) =	vadd.scan.msk.s32 $0xffff, v21  }
0x35: {  	v23 =	vmpcnt.ones.xlane vm1;
	v21 =	vld [tilespmem:s22+$0x10];
	p2 =	slt.u32 s21, $0x1F8;
	v13 =	vadd.s32 $0xFFFFFFFF, v13;
	v11 =	vadd.s32 v11, v19  }
0x36: {  	v25 =	vmpcnt.ones.xlane vm6;
	vm10 =	vmmov vm6;
	v24 =	vld [tilespmem:s22+$0x0];
	v11 =	vadd.s32 $0xFFFFFFFF, v11;
	v26, _, _ =	vpop (xrf0)  }
0x37: {  	v27 =	vld [tilespmem:s22+$0x30];
	[tilespmem:v15+s13+$0x0] =	vst.idx.msk vm4, v9;
	v9 =	vadd.s32 v18, v12;
	v12 =	vadd.s32 v19, v23;
	v15 =	vsel vm8, $0x1, v0  }
0x38: {  	v18 =	vld [tilespmem:s22+$0xFFFFFFF0];
	[tilespmem:v14+s13+$0x0] =	vst.idx.msk vm0, v10;
	v14 =	vadd.s32 $0xFFFFFFFF, v9;
	v19 =	vadd.s32 v12, v25;
	v10 =	vsel vm9, $0x1, v0  }
0x39: {  	v9 =	vld [tilespmem:s22+$0xFFFFFFC0];
	vm4 =	vge.f32 v22, $9.200000160e-01;
	vm0 =	vge.f32 v22, $7.599999900e-01;
	v16 =	vadd.s32 v10, v16;
	v23, _, _ =	vpop (xrf0)  }
0x3a: {  	vm0 =	vmxor vm4, vm0;
	vm11 =	vge.f32 v21, $9.200000160e-01;
	v25 =	vld [tilespmem:s22+$0x20];
	[tilespmem:v13+s13+$0x0] =	vst.idx.msk vm5, v8;
	v13 =	vadd.s32 v19, v17;
	v17, _, _ =	vpop (xrf0)  }
0x3b: {  	vm5 =	vge.f32 v21, $7.599999900e-01;
	v28 =	vsel vm0, $0x1, v0;
	[tilespmem:v11+s13+$0x0] =	vst.idx.msk vm1, v5;
	v11 =	vadd.s32 v26, v12;
	v10 =	vmovc v22  }
0x3c: {  	v12 =	vsel vm4, $0x1, v0;
	vm6 =	vge.f32 v24, $9.200000160e-01;
	vm1 =	vge.f32 v24, $7.599999900e-01;
	v5 =	vmovc v24;
	v8 =	vld [tilespmem:s22+$0xFFFFFFE0]  }
0x3d: {  	vm1 =	vmxor vm6, vm1;
	vm8 =	vge.f32 v18, $7.599999900e-01;
	[tilespmem:v14+s13+$0x0] =	vst.idx.msk vm2, v4;
	v14 =	vadd.s32 v23, v19;
	v4 =	vmovc v18  }
0x3e: {  	v18 =	vsel vm1, $0x1, v0;
	vm9 =	vge.f32 v9, $9.200000160e-01;
	(xrf0) =	vadd.scan.msk.s32 $0xffff, v28;
	v14 =	vadd.s32 $0xFFFFFFFF, v14  }
0x3f: {  	v17 =	vadd.s32 v17, v13;
	v19 =	vmpcnt.ones.xlane vm0;
	vm2 =	vge.f32 v9, $7.599999900e-01;
	(xrf0) =	vadd.scan.msk.s32 $0xffff, v18  }
0x40: {  	vm4 =	vmxor vm9, vm2;
	v18 =	vsel vm6, $0x1, v0;
	vm6 =	vmxor vm11, vm5  }
0x41: {  	v17 =	vadd.s32 $0xFFFFFFFF, v17;
	vm12 =	vge.f32 v4, $9.200000160e-01;
	vm5 =	vge.f32 v8, $7.599999900e-01  }
0x42: {  	v23 =	vadd.s32 $0xFFFFFFFF, v11;
	vm2 =	vmxor vm12, vm8;
	v22 =	vsel vm4, $0x1, v0  }
0x43: {  	v24 =	vmpcnt.ones.xlane vm4;
	vm13 =	vge.f32 v8, $9.200000160e-01;
	[tilespmem:v14+s13+$0x0] =	vst.idx.msk vm7, v7;
	v14 =	vadd.s32 v13, v20;
	v7 =	vmovc v25  }
0x44: {  	vm5 =	vmxor vm13, vm5;
	v13 =	vsel vm9, $0x1, v0;
	vm7 =	vge.f32 v27, $7.599999900e-01;
	(xrf0) =	vadd.scan.msk.s32 $0xffff, v22;
	v20, _, _ =	vpop (xrf0)  }
0x45: {  	v15 =	vadd.s32 v15, v16;
	v25 =	vmpcnt.ones.xlane vm5;
	v22 =	vsel vm5, $0x1, v0;
	v11, _, _ =	vpop (xrf0)  }
0x46: {  	vm8 =	vge.f32 v27, $9.200000160e-01;
	v13 =	vadd.s32 v13, v15;
	v15 =	vsel vm2, $0x1, v0;
	[tilespmem:v17+s13+$0x0] =	vst.idx.msk vm3, v6;
	v6 =	vmovc v27  }
0x47: {  	vm9 =	vge.f32 v7, $9.200000160e-01;
	v12 =	vadd.s32 v12, v13;
	v13 =	vsel vm13, $0x1, v0;
	(xrf0) =	vadd.scan.msk.s32 $0xffff, v22  }
0x48: {  	v16 =	vadd.s32 v14, v24;
	vm13 =	vge.f32 v7, $7.599999900e-01;
	v17 =	vadd.s32 v13, v12;
	(xrf0) =	vadd.scan.msk.s32 $0xffff, v15  }
0x49: {  	v13 =	vadd.s32 v16, v19;
	vm3 =	vmxor vm8, vm7;
	v15 =	vsel vm12, $0x1, v0;
	[tilespmem:v23+s13+$0x0] =	vst.idx.msk vm10, v3;
	v3 =	vmovc v21  }
.Ltmp0:
0x4a: {  	v12 =	vadd.s32 v13, v25;
	v15 =	vadd.s32 v15, v17;
	v17 =	vsel vm6, $0x1, v0;
	v19, _, _ =	vpop (xrf0);
	(pc) =	sbr.rel @p2 .LBB2_3-.Ltmp0, $4  }
0x4b: {  	v16 =	vadd.s32 v20, v16;
	v21 =	vsel vm11, $0x1, v0;
	v14 =	vadd.s32 v19, v14;
	(xrf0) =	vadd.scan.msk.s32 $0xffff, v17  }
0x4c: {  	v20 =	vmpcnt.ones.xlane vm2;
	vm7 =	vmxor vm9, vm13;
	v17 =	vadd.s32 v18, v15  }
0x4d: {  	v22 =	vsel vm7, $0x1, v0;
	v15 =	vadd.s32 $0xFFFFFFFF, v14;
	v14 =	vadd.s32 $0xFFFFFFFF, v16;
	v19, _, _ =	vpop (xrf0)  }
0x4e: {  	s22 =	sadd.s32 $0x80, s22;
	v16 =	vadd.s32 v21, v17;
	v17 =	vmpcnt.ones.xlane vm7;
	v21 =	vsel vm3, $0x1, v0;
	v18, _, _ =	vpop (xrf0);
	(xrf0) =	vadd.scan.msk.s32 $0xffff, v22  }
0x4f: {  	v22 =	vmpcnt.ones.xlane vm1  }
0x50: {  	v20 =	vadd.s32 v12, v20;
	v23 =	vmpcnt.ones.xlane vm6  }
0x51: {  	v22 =	vadd.s32 v20, v22  }
0x52: {  	v24 =	vmpcnt.ones.xlane vm3;
	v23 =	vadd.s32 v22, v23  }
0x53: {  	v17 =	vadd.s32 v23, v17  }
0x54: {  	v25 =	vsel vm9, $0x1, v0;
	v24 =	vadd.s32 v17, v24  }
0x55: {  	(xrf0) =	vadd.scan.msk.s32 $0xffff, v21;
	v51 =	vsel vm8, $0x1, v0;
	v16 =	vadd.s32 v25, v16;
	v24 =	vxor.u32 $0x80000000, v24  }
0x56: {  	v16 =	vadd.s32 v51, v16;
	(xrf0) =	vmax.scan.msk.u32 $0xffff, v24  }
0x57: {  	(xrf0) =	vadd.scan.msk.s32 $0xffff, v16;
	_ =	sdelay $0x1  }
0x58: {  	v52, _, _ =	vpop (xrf0)  }
0x59: {  	v53, _, _ =	vpop (xrf0)  }
0x5a: {  	v54, _, _ =	vpop (xrf0)  }
0x5b: {  	v55, _, _ =	vpop (xrf0)  }
0x5c: {  	(v2sf) =	vpush v55, $0xF;
	v56, _, _ =	vpop (xrf0)  }
0x5d: {  	(v2sf) =	vpush v56, $0xF;
	_ =	sdelay $0xb  }
0x5e: {  	v13 =	vadd.s32 v19, v13  }
0x5f: {  	v57 =	vadd.s32 v18, v12;
	v13 =	vadd.s32 $0xFFFFFFFF, v13  }
0x60: {  	v11 =	vadd.s32 v11, v20;
	v12 =	vadd.s32 $0xFFFFFFFF, v57;
	s0 =	spop (v2sf)  }
0x61: {  	v11 =	vadd.s32 $0xFFFFFFFF, v11;
	v61 =	vadd.s32 v52, v22;
	s21 =	sxor.u32 $0x80000000, s0;
	s22 =	spop (v2sf)  }
0x62: {  	[tilespmem:v15+s13+$0x0] =	vst.idx.msk vm4, v9;
	v63 =	vadd.s32 $0xFFFFFFFF, v61;
	v58 =	vadd.s32 v53, v23;
	p2 =	sgt.s32 s22, $0x666;
	s23 =	sadd.s32 s22, s21  }
0x63: {  	[tilespmem:v14+s13+$0x0] =	vst.idx.msk vm0, v10;
	v59 =	vadd.s32 $0xFFFFFFFF, v58;
	v60 =	vadd.s32 v54, v17;
	p4 =	slt.s32 @!p2 s23, $0x667  }
0x64: {  	[tilespmem:v13+s13+$0x0] =	vst.idx.msk vm5, v8;
	v62 =	vadd.s32 $0xFFFFFFFF, v60;
	p4 =	por p2, p4  }
.Ltmp1:
0x65: {  	[tilespmem:v12+s13+$0x0] =	vst.idx.msk vm2, v4;
	(pc) =	sbr.rel @p4 .LBB2_6-.Ltmp1, $4  }
0x66: {  	[tilespmem:v11+s13+$0x0] =	vst.idx.msk vm1, v5  }
0x67: {  	[tilespmem:v63+s13+$0x0] =	vst.idx.msk vm6, v3  }
0x68: {  	s1 =	simm.f32 $7.599999900e-01;
	[tilespmem:v59+s13+$0x0] =	vst.idx.msk vm7, v7;
	s0 =	simm.f32 $-Inf;
	p3 =	slt.s32 s23, $0x667  }
0x69: {  	vm15 =	vmmov vm6;
	[tilespmem:v62+s13+$0x0] =	vst.idx.msk vm3, v6;
	s0 =	simm.s32 @!p3 $0x3F428F5C;
	s1 =	simm.s32 @!p3 $0x3F6B851F  }
.Ltmp2:
0x6a: {  	(pc) =	sbr.rel .LBB2_9-.Ltmp2, $2  }
0x6b: {  	_ =	sdelay $0x2  }
0x6c: {  	v3 =	vmov s1;
	v4 =	vmov s0  }
.LBB2_6:
0x6d: {  	v11 =	vld [tilespmem:s20+$0xFFFFFFD0]  }
0x6e: {  	v5 =	vld [tilespmem:s20+$0x10]  }
0x6f: {  	v7 =	vld [tilespmem:s20+$0x0]  }
0x70: {  	v6 =	vld [tilespmem:s20+$0x20]  }
0x71: {  	v9 =	vld [tilespmem:s20+$0xFFFFFFE0]  }
0x72: {  	s1 =	simm.s32 @p2 $0x7F800000;
	v8 =	vld [tilespmem:s20+$0xFFFFFFF0]  }
0x73: {  	s0 =	simm.s32 @p2 $0x3F6B851F;
	v3 =	vmov s1  }
0x74: {  	v13 =	vimm.s32 $0x0;
	v4 =	vmov s0;
	vm0 =	vge.f32 v11, v3  }
0x75: {  	vm1 =	vge.f32 v11, v4;
	vm6 =	vge.f32 v5, v3;
	vm2 =	vge.f32 v7, v3  }
0x76: {  	v10 =	vld [tilespmem:s20+$0xFFFFFFC0];
	vm5 =	vge.f32 v6, v3;
	vm7 =	vge.f32 v6, v4;
	vm3 =	vge.f32 v9, v3  }
0x77: {  	vm4 =	vge.f32 v9, v4;
	vm8 =	vge.f32 v8, v3;
	vm0 =	vmneg vm0  }
0x78: {  	vm9 =	vge.f32 v8, v4;
	vm3 =	vmneg vm3;
	vm0 =	vmand vm1, vm0  }
0x79: {  	vm3 =	vmand vm4, vm3;
	vm4 =	vmneg vm8;
	v15 =	vsel vm0, $0x1, v0  }
0x7a: {  	vm2 =	vmneg vm2;
	v16 =	vsel vm3, $0x1, v0;
	vm4 =	vmand vm9, vm4;
	(xrf0) =	vadd.scan.msk.s32 $0xffff, v15  }
0x7b: {  	vm15 =	vmneg vm5;
	vm8 =	vge.f32 v10, v3;
	v15 =	vsel vm4, $0x1, v0;
	(xrf0) =	vadd.scan.msk.s32 $0xffff, v16  }
0x7c: {  	vm6 =	vmneg vm6;
	vm5 =	vmneg vm8;
	vm8 =	vge.f32 v10, v4;
	(xrf0) =	vadd.scan.msk.s32 $0xffff, v15  }
0x7d: {  	vm1 =	vge.f32 v7, v4;
	v14 =	vmpcnt.ones.xlane vm0;
	vm5 =	vmand vm8, vm5  }
0x7e: {  	v17 =	vmpcnt.ones.xlane vm3;
	vm2 =	vmand vm1, vm2;
	v19 =	vmpcnt.ones.xlane vm5  }
0x7f: {  	vm1 =	vmand vm7, vm15;
	v18 =	vmpcnt.ones.xlane vm4;
	v16 =	vsel vm2, $0x1, v0  }
0x80: {  	v12 =	vld [tilespmem:s20+$0x30];
	v20 =	vsel vm1, $0x1, v0;
	v15 =	vsel vm5, $0x1, v0;
	(xrf0) =	vadd.scan.msk.s32 $0xffff, v16;
	v16 =	vadd.s32 v13, v19;
	v21, _, _ =	vpop (xrf0)  }
0x81: {  	vm8 =	vge.f32 v5, v4;
	v14 =	vadd.s32 v16, v14;
	(xrf0) =	vadd.scan.msk.s32 $0xffff, v15;
	v21 =	vadd.s32 v21, v16;
	v22, _, _ =	vpop (xrf0)  }
0x82: {  	v16 =	vadd.s32 $0xFFFFFFFF, v21;
	v21 =	vadd.s32 v14, v17;
	v14 =	vadd.s32 v22, v14;
	v22, _, _ =	vpop (xrf0);
	(xrf0) =	vadd.scan.msk.s32 $0xffff, v20  }
0x83: {  	vm6 =	vmand vm8, vm6;
	v19 =	vmpcnt.ones.xlane vm2;
	v20 =	vadd.s32 v22, v21  }
0x84: {  	v23 =	vmpcnt.ones.xlane vm6;
	v15 =	vadd.s32 v21, v18;
	v18 =	vsel vm6, $0x1, v0  }
0x85: {  	vm7 =	vge.f32 v12, v3;
	v17 =	vadd.s32 $0xFFFFFFFF, v14;
	v14 =	vadd.s32 v15, v19;
	(xrf0) =	vadd.scan.msk.s32 $0xffff, v18  }
0x86: {  	s24 =	simm.s32 $0x0;
	s25 =	sadd.s32 $0x80, s20;
	vm7 =	vmneg vm7;
	v18 =	vadd.s32 $0xFFFFFFFF, v20;
	v19 =	vadd.s32 v14, v23;
	v20, _, _ =	vpop (xrf0)  }
.LBB2_7:
0x87: {  	v21 =	vld [tilespmem:s25+$0xFFFFFFD0];
	s24 =	sadd.s32 $0x8, s24;
	vm8 =	vge.f32 v12, v4;
	v22, _, _ =	vpop (xrf0)  }
0x88: {  	v23 =	vld [tilespmem:s25+$0x10];
	p4 =	slt.u32 s24, $0x1F8;
	v13 =	vadd.s32 v22, v13;
	[tilespmem:v16+s13+$0x0] =	vst.idx.msk vm0, v11;
	v11 =	vmpcnt.ones.xlane vm1;
	vm7 =	vmand vm8, vm7;
	v16, _, _ =	vpop (xrf0)  }
0x89: {  	v22 =	vld [tilespmem:s25+$0x0];
	v13 =	vadd.s32 $0xFFFFFFFF, v13;
	v16 =	vadd.s32 v16, v19;
	v24 =	vsel vm7, $0x1, v0  }
0x8a: {  	v25 =	vld [tilespmem:s25+$0x20];
	[tilespmem:v17+s13+$0x0] =	vst.idx.msk vm3, v9;
	(xrf0) =	vadd.scan.msk.s32 $0xffff, v24  }
0x8b: {  	v15 =	vadd.s32 v20, v15;
	v17 =	vadd.s32 v19, v11;
	[tilespmem:v18+s13+$0x0] =	vst.idx.msk vm4, v8;
	v8 =	vld [tilespmem:s25+$0xFFFFFFF0];
	v18 =	vmpcnt.ones.xlane vm7;
	v19, _, _ =	vpop (xrf0)  }
0x8c: {  	v15 =	vadd.s32 $0xFFFFFFFF, v15;
	vm0 =	vge.f32 v21, v3;
	vm3 =	vge.f32 v21, v4;
	v9 =	vld [tilespmem:s25+$0xFFFFFFE0];
	v11 =	vmovc v21  }
0x8d: {  	v14 =	vadd.s32 v19, v14;
	vm0 =	vmneg vm0;
	vm8 =	vge.f32 v23, v3  }
0x8e: {  	vm0 =	vmand vm3, vm0;
	vm10 =	vge.f32 v22, v4;
	[tilespmem:v13+s13+$0x0] =	vst.idx.msk vm5, v10;
	v13 =	vadd.s32 $0xFFFFFFFF, v14  }
0x8f: {  	vm3 =	vge.f32 v22, v3;
	vm11 =	vge.f32 v25, v3;
	vm9 =	vge.f32 v25, v4  }
0x90: {  	v16 =	vadd.s32 $0xFFFFFFFF, v16;
	v14 =	vmpcnt.ones.xlane vm0;
	vm5 =	vmneg vm3;
	v10 =	vld [tilespmem:s25+$0xFFFFFFC0];
	v19, _, _ =	vpop (xrf0)  }
0x91: {  	vm3 =	vge.f32 v9, v3;
	vm4 =	vge.f32 v9, v4;
	v19 =	vadd.s32 v19, v17  }
0x92: {  	vm12 =	vge.f32 v8, v3;
	vm13 =	vge.f32 v8, v4;
	vm3 =	vmneg vm3  }
0x93: {  	vm3 =	vmand vm4, vm3;
	vm4 =	vmneg vm12;
	[tilespmem:v15+s13+$0x0] =	vst.idx.msk vm2, v7;
	v15 =	vadd.s32 $0xFFFFFFFF, v19;
	v7 =	vmovc v22  }
0x94: {  	v19 =	vsel vm0, $0x1, v0;
	v20 =	vsel vm3, $0x1, v0;
	v21 =	vmpcnt.ones.xlane vm3;
	[tilespmem:v13+s13+$0x0] =	vst.idx.msk vm6, v5;
	v5 =	vmovc v23  }
0x95: {  	vm4 =	vmand vm13, vm4;
	vm6 =	vmneg vm11;
	vm2 =	vge.f32 v10, v3;
	v22 =	vld [tilespmem:s25+$0x30];
	(xrf0) =	vadd.scan.msk.s32 $0xffff, v19  }
0x96: {  	v13 =	vadd.s32 v17, v18;
	v19 =	vsel vm4, $0x1, v0;
	vm11 =	vmneg vm2;
	(xrf0) =	vadd.scan.msk.s32 $0xffff, v20  }
0x97: {  	vm12 =	vge.f32 v10, v4;
	v17 =	vmpcnt.ones.xlane vm4;
	vm2 =	vmand vm10, vm5;
	[tilespmem:v16+s13+$0x0] =	vst.idx.msk vm1, v6;
	v6 =	vmovc v25  }
0x98: {  	vm5 =	vmand vm12, vm11;
	v16 =	vsel vm2, $0x1, v0;
	(xrf0) =	vadd.scan.msk.s32 $0xffff, v19;
	[tilespmem:v15+s13+$0x0] =	vst.idx.msk vm7, v12  }
0x99: {  	vm1 =	vmand vm9, vm6;
	v20 =	vsel vm5, $0x1, v0;
	v18 =	vmpcnt.ones.xlane vm5  }
0x9a: {  	vm6 =	vmneg vm8;
	v19 =	vsel vm1, $0x1, v0;
	vm7 =	vge.f32 v22, v3;
	(xrf0) =	vadd.scan.msk.s32 $0xffff, v16;
	v12 =	vmovc v22  }
0x9b: {  	vm8 =	vge.f32 v5, v4;
	v16 =	vadd.s32 v13, v18;
	v18 =	vmpcnt.ones.xlane vm2;
	(xrf0) =	vadd.scan.msk.s32 $0xffff, v20;
	v15, _, _ =	vpop (xrf0)  }
.Ltmp3:
0x9c: {  	vm6 =	vmand vm8, vm6;
	v14 =	vadd.s32 v16, v14;
	v15 =	vadd.s32 v15, v16;
	v20, _, _ =	vpop (xrf0);
	(xrf0) =	vadd.scan.msk.s32 $0xffff, v19;
	(pc) =	sbr.rel @p4 .LBB2_7-.Ltmp3, $4  }
0x9d: {  	v19 =	vadd.s32 v14, v21;
	v21 =	vmpcnt.ones.xlane vm6;
	v16 =	vadd.s32 $0xFFFFFFFF, v15  }
0x9e: {  	v23 =	vsel vm6, $0x1, v0;
	v14 =	vadd.s32 v20, v14;
	v15 =	vadd.s32 v19, v17;
	v22, _, _ =	vpop (xrf0)  }
0x9f: {  	v17 =	vadd.s32 $0xFFFFFFFF, v14;
	v14 =	vadd.s32 v15, v18;
	v19 =	vadd.s32 v22, v19;
	(xrf0) =	vadd.scan.msk.s32 $0xffff, v23  }
0xa0: {  	s25 =	sadd.s32 $0x80, s25;
	vm7 =	vmneg vm7;
	v18 =	vadd.s32 $0xFFFFFFFF, v19;
	v19 =	vadd.s32 v14, v21;
	v20, _, _ =	vpop (xrf0)  }
0xa1: {  	vm8 =	vge.f32 v12, v4  }
0xa2: {  	vm7 =	vmand vm8, vm7  }
0xa3: {  	v21 =	vsel vm7, $0x1, v0  }
0xa4: {  	(xrf0) =	vadd.scan.msk.s32 $0xffff, v21;
	_ =	sdelay $0x2  }
0xa5: {  	v55, _, _ =	vpop (xrf0);
	v15 =	vadd.s32 v20, v15  }
0xa6: {  	v22 =	vmpcnt.ones.xlane vm1;
	v13 =	vadd.s32 v55, v13;
	v56, _, _ =	vpop (xrf0);
	v15 =	vadd.s32 $0xFFFFFFFF, v15  }
0xa7: {  	v13 =	vadd.s32 $0xFFFFFFFF, v13;
	v58 =	vadd.s32 v56, v19;
	v57, _, _ =	vpop (xrf0)  }
0xa8: {  	[tilespmem:v16+s13+$0x0] =	vst.idx.msk vm0, v11;
	v59 =	vadd.s32 v19, v22;
	v61 =	vadd.s32 $0xFFFFFFFF, v58;
	v14 =	vadd.s32 v57, v14;
	v60, _, _ =	vpop (xrf0)  }
0xa9: {  	[tilespmem:v17+s13+$0x0] =	vst.idx.msk vm3, v9;
	v14 =	vadd.s32 $0xFFFFFFFF, v14;
	v62 =	vadd.s32 v60, v59  }
0xaa: {  	[tilespmem:v18+s13+$0x0] =	vst.idx.msk vm4, v8;
	v63 =	vadd.s32 $0xFFFFFFFF, v62  }
0xab: {  	[tilespmem:v15+s13+$0x0] =	vst.idx.msk vm2, v7  }
0xac: {  	[tilespmem:v13+s13+$0x0] =	vst.idx.msk vm5, v10  }
0xad: {  	[tilespmem:v61+s13+$0x0] =	vst.idx.msk vm1, v6  }
0xae: {  	[tilespmem:v14+s13+$0x0] =	vst.idx.msk vm6, v5  }
0xaf: {  	[tilespmem:v63+s13+$0x0] =	vst.idx.msk vm7, v12  }
.LBB2_9:
0xb0: {  	s0 =	ssub.s32 $0x2000, s23  }
0xb1: {  	s21 =	smov.u32 @p3 s0  }
0xb2: {  	s21 =	smov.u32 @p2 s22  }
0xb3: {  	s10 =	sand.u32 $0xF, s21  }
0xb4: {  	s1 =	sshra.s32 s21, $0x1F;
	p4 =	slt.s32 s21, $0x1;
	p5 =	sne.s32 s10, $0x0  }
0xb5: {  	s24 =	sshrl.u32 s1, $0x1C;
	p4 =	por !p4, !p5  }
0xb6: {  	s1 =	simm.s32 $0x1;
	s0 =	sadd.s32 s24, s21;
	p4 =	por !p4, !p4  }
0xb7: {  	s0 =	sshra.s32 s0, $0x4;
	s1 =	simm.s32 @!p4 $0x0  }
0xb8: {  	s24 =	ssub.s32 s0, s1  }
0xb9: {  	s0 =	sadd.s32 $0x1, s24  }
0xba: {  	s25 =	sshrl.u32 s0, $0x1F  }
0xbb: {  	s1 =	sadd.s32 s25, s0  }
0xbc: {  	s28 =	simm.s32 $0x0;
	v5 =	vadd.s32 s21, v1;
	s25 =	sand.u32 $0xFFFFFFFE, s1  }
.Ltmp4:
0xbd: {  	s29 =	simm.s32 $0x0;
	s0 =	ssub.s32 s0, s25;
	(pc) =	sbr.rel .LBB2_10-.Ltmp4, $4  }
0xbe: {  	s22 =	smov.u32 @p3 s23;
	s26 =	sshll.u32 s24, $0x6;
	s30 =	sshll.u32 s0, $0x6  }
0xbf: {  	s21 =	ssub.s32 $0x667, s22;
	s22 =	simm.s32 $0x0;
	s1 =	ssub.s32 s26, s30  }
0xc0: {  	s21 =	simm.s32 @p2 $0x667;
	p2 =	slt.s32 s25, $0x1;
	s31 =	sshra.s32 s1, $0x2  }
0xc1: {  	[tilespmem:v5+s13+$0x0] =	vst.idx.msk $0xffff, v3;
	p3 =	sgt.s32 s25, s24;
	s23 =	ssub.s32 s24, s0;
	s26 =	sadd.s32 $0x6010, s31  }
.LBB2_17:
0xc2: {  	v5 =	vld [tilespmem:$0x8080]  }
0xc3: {  	v6 =	vld [tilespmem:$0x8090]  }
0xc4: {  	v7 =	vld [tilespmem:$0x80A0]  }
0xc5: {  	v8 =	vld [tilespmem:$0x80B0]  }
0xc6: {  	v9 =	vld [tilespmem:$0x80C0]  }
0xc7: {  	v10 =	vld [tilespmem:$0x80D0]  }
0xc8: {  	v5 =	vadd.s32 v5, v6;
	v6 =	vld [tilespmem:$0x80E0]  }
0xc9: {  	v5 =	vadd.s32 v7, v5;
	v7 =	vld [tilespmem:$0x80F0]  }
0xca: {  	v56 =	vld [tilespmem:$0x8100];
	v5 =	vadd.s32 v8, v5  }
0xcb: {  	v57 =	vld [tilespmem:$0x8110];
	v5 =	vadd.s32 v9, v5  }
0xcc: {  	v58 =	vld [tilespmem:$0x8120];
	v5 =	vadd.s32 v10, v5  }
0xcd: {  	v5 =	vadd.s32 v6, v5;
	v6 =	vld [tilespmem:$0x8130]  }
0xce: {  	v5 =	vadd.s32 v7, v5;
	v7 =	vld [tilespmem:$0x8140]  }
0xcf: {  	v59 =	vld [tilespmem:$0x8150];
	v5 =	vadd.s32 v56, v5  }
0xd0: {  	v60 =	vld [tilespmem:$0x8160];
	v5 =	vadd.s32 v57, v5  }
0xd1: {  	v61 =	vld [tilespmem:$0x8170];
	v5 =	vadd.s32 v58, v5  }
0xd2: {  	v5 =	vadd.s32 v6, v5  }
0xd3: {  	v5 =	vadd.s32 v7, v5  }
0xd4: {  	v6 =	vmul.u32 $0xFFFFFFFF, v1;
	v5 =	vadd.s32 v59, v5  }
0xd5: {  	v5 =	vadd.s32 v60, v5  }
0xd6: {  	v6 =	vadd.s32 $0xF, v6;
	v5 =	vadd.s32 v61, v5  }
0xd7: {  	v5 =	vperm.xlane v5, v6;
	_ =	sdelay $0x1  }
0xd8: {  	(xrf0) =	vadd.scan.msk.s32 $0xffff, v5;
	_ =	sdelay $0x5  }
0xd9: {  	v5, _, _ =	vpop (xrf0)  }
0xda: {  	v5 =	vperm.xlane v5, v6;
	_ =	sdelay $0x1  }
0xdb: {  	vm0 =	vge.s32 v5, s21  }
0xdc: {  	v7 =	vsel vm0, $0x1, v0  }
0xdd: {  	(xrf0) =	vadd.scan.msk.s32 $0xffff, v7;
	_ =	sdelay $0x5  }
0xde: {  	v7, _, _ =	vpop (xrf0)  }
0xdf: {  	(v2sf) =	vpush v7, $0xF;
	_ =	sdelay $0xe  }
0xe0: {  	v62 =	vmul.u32 $0x10, v1;
	s0 =	spop (v2sf)  }
0xe1: {  	s0 =	sadd.s32 $0xFFFFFFFF, s0  }
0xe2: {  	v8 =	vadd.s32 s0, v62;
	_ =	sdelay $0x4  }
0xe3: {  	v8 =	vld.idx.msk [tilespmem:v8+s14+$0x0], $0xffff;
	_ =	sdelay $0x1  }
0xe4: {  	v7 =	vbroadcast v7, $0xF;
	_ =	sdelay $0x1  }
0xe5: {  	vm13 =	veq.s32 v7, v1  }
0xe6: {  	v5 =	vnsel vm13, $0x0, v5;
	v7 =	vperm.xlane v8, v6  }
0xe7: {  	(xrf0) =	vadd.scan.msk.s32 $0xffff, v5  }
0xe8: {  	(xrf0) =	vadd.scan.msk.s32 $0xffff, v7;
	_ =	sdelay $0x4  }
0xe9: {  	v5, _, _ =	vpop (xrf0)  }
0xea: {  	v7, _, _ =	vpop (xrf0)  }
0xeb: {  	v6 =	vperm.xlane v7, v6;
	v7 =	vbroadcast v5, $0xF;
	_ =	sdelay $0x1  }
0xec: {  	v6 =	vadd.s32 v6, v7  }
0xed: {  	vm14 =	vge.s32 v6, s21  }
0xee: {  	v7 =	vsel vm14, $0x1, v0  }
0xef: {  	(xrf0) =	vadd.scan.msk.s32 $0xffff, v7;
	_ =	sdelay $0x5  }
0xf0: {  	v7, _, _ =	vpop (xrf0)  }
0xf1: {  	v63 =	vbroadcast v7, $0xF;
	_ =	sdelay $0x1  }
0xf2: {  	vm15 =	veq.s32 v63, v1  }
0xf3: {  	v6 =	vnsel vm15, $0x0, v6  }
0xf4: {  	(xrf0) =	vadd.scan.msk.s32 $0xffff, v6;
	_ =	sdelay $0x4  }
0xf5: {  	(v2sf) =	vpush v5, $0xF  }
0xf6: {  	(v2sf) =	vpush v7, $0xF;
	v5, _, _ =	vpop (xrf0)  }
0xf7: {  	(v2sf) =	vpush v5, $0xF;
	_ =	sdelay $0xc  }
0xf8: {  	s1 =	spop (v2sf)  }
0xf9: {  	s10 =	spop (v2sf)  }
0xfa: {  	s29 =	sadd.s32 $0x1, s29;
	p4 =	seq.s32 s10, $0x10;
	s3 =	spop (v2sf)  }
0xfb: {  	s3 =	smov.u32 @p4 s1;
	p4 =	sne.s32 s29, $0x4  }
.Ltmp5:
0xfc: {  	s0 =	sshll.u32 s0, $0x4;
	(pc) =	sbr.rel @!p4 .LBB2_18-.Ltmp5, $4  }
0xfd: {  	s0 =	sadd.s32 s10, s0  }
0xfe: {  	s0 =	sadd.s32 $0xFFFFFFFF, s0  }
0xff: {  	s0 =	sshll.u32 s0, s31;
	s31 =	sshrl.u32 s15, s30  }
0x100: {  	s22 =	sor.u32 s22, s0;
	s28 =	sor.u32 s31, s28;
	s21 =	ssub.s32 s21, s3  }
.LBB2_10:
0x101: {  	[tilespmem:$0x8080] =	vst v0  }
0x102: {  	[tilespmem:$0x8090] =	vst v0  }
0x103: {  	[tilespmem:$0x80A0] =	vst v0  }
0x104: {  	[tilespmem:$0x80B0] =	vst v0  }
0x105: {  	[tilespmem:$0x80C0] =	vst v0  }
0x106: {  	[tilespmem:$0x80D0] =	vst v0  }
0x107: {  	[tilespmem:$0x80E0] =	vst v0  }
0x108: {  	[tilespmem:$0x80F0] =	vst v0  }
0x109: {  	[tilespmem:$0x8100] =	vst v0  }
0x10a: {  	[tilespmem:$0x8110] =	vst v0  }
0x10b: {  	[tilespmem:$0x8120] =	vst v0  }
.Ltmp6:
0x10c: {  	[tilespmem:$0x8130] =	vst v0;
	(pc) =	sbr.rel @p2 .LBB2_14-.Ltmp6, $4  }
0x10d: {  	[tilespmem:$0x8140] =	vst v0  }
0x10e: {  	s30 =	sshll.u32 s29, $0x3;
	[tilespmem:$0x8150] =	vst v0  }
0x10f: {  	[tilespmem:$0x8160] =	vst v0;
	v5 =	vmov s28;
	s31 =	ssub.s32 $0x18, s30;
	s0 =	ssub.s32 $0x1C, s30  }
0x110: {  	[tilespmem:$0x8170] =	vst v0;
	v6 =	vmov s22;
	v7 =	vmov s31;
	v8 =	vmov s0  }
0x111: {  	s0 =	simm.s32 $0x6010  }
0x112: {  	v10 =	vld [tilespmem:s0+$0x0];
	_ =	sdelay $0x4  }
0x113: {  	vm0 =	vge.f32 v10, v3  }
0x114: {  	p4 =	sgt.s32 s25, $0x2;
	v9 =	vld [tilespmem:s0+$0xFFFFFFF0];
	v11 =	vxor.u32 $0x80000000, v10;
	v12 =	vxor.u32 $0xFFFFFFFF, v10;
	vm1 =	vlt.s32 v10, $0x0  }
.Ltmp7:
0x115: {  	v11 =	vsel vm1, v12, v11;
	vm1 =	vge.f32 v10, v4;
	vm0 =	vmneg vm0;
	(pc) =	sbr.rel @!p4 .LBB2_13-.Ltmp7, $4  }
0x116: {  	vm0 =	vmand vm1, vm0;
	v10 =	vand.u32 v5, v11;
	v12 =	vshrl.u32 v11, v7  }
0x117: {  	vm1 =	veq.s32 v10, v6;
	v10 =	vshrl.u32 v11, v8;
	v11 =	vshll.u32 v12, $0x4  }
0x118: {  	vm0 =	vmand vm0, vm1;
	v10 =	vand.u32 $0xF, v10;
	v13 =	vand.u32 $0xF0, v11  }
0x119: {  	s1 =	simm.s32 $0x2;
	s0 =	simm.s32 $0x6030;
	v12 =	vxor.u32 $0xFFFFFFFF, v9;
	v11 =	vxor.u32 $0x80000000, v9;
	v10 =	vor.u32 v10, v13  }
.LBB2_12:
0x11a: {  	v13 =	vld [tilespmem:s0+$0x0];
	vm1 =	vlt.s32 v9, $0x0;
	vm2 =	vge.f32 v9, v4;
	vm3 =	vge.f32 v9, v3  }
0x11b: {  	s1 =	sadd.s32 $0x2, s1;
	v9 =	vld [tilespmem:s0+$0xFFFFFFF0];
	v11 =	vsel vm1, v12, v11;
	vm1 =	vmneg vm3  }
0x11c: {  	p4 =	slt.s32 s1, s25;
	v12 =	vand.u32 v5, v11;
	v14 =	vshrl.u32 v11, v7;
	v11 =	vshrl.u32 v11, v8  }
0x11d: {  	vm1 =	vmand vm2, vm1;
	vm2 =	veq.s32 v12, v6;
	v12 =	vshll.u32 v14, $0x4  }
0x11e: {  	v11 =	vand.u32 $0xF, v11;
	vm1 =	vmand vm1, vm2;
	v12 =	vand.u32 $0xF0, v12;
	[tilespmem:v10+s14+$0x0] =	vst.idx.add.s32.msk vm0, v2  }
0x11f: {  	vm0 =	vge.f32 v13, v3;
	v10 =	vor.u32 v11, v12  }
0x120: {  	v11 =	vxor.u32 $0x80000000, v13;
	v12 =	vxor.u32 $0xFFFFFFFF, v13;
	vm2 =	vlt.s32 v13, $0x0  }
.Ltmp8:
0x121: {  	v11 =	vsel vm2, v12, v11;
	vm2 =	vge.f32 v13, v4;
	vm0 =	vmneg vm0;
	(pc) =	sbr.rel @p4 .LBB2_12-.Ltmp8, $4  }
0x122: {  	vm0 =	vmand vm2, vm0;
	v12 =	vand.u32 v5, v11;
	v13 =	vshrl.u32 v11, v7  }
0x123: {  	v11 =	vshrl.u32 v11, v8;
	vm2 =	veq.s32 v12, v6;
	v12 =	vshll.u32 v13, $0x4  }
0x124: {  	v13 =	vand.u32 $0xF, v11;
	vm0 =	vmand vm0, vm2;
	v14 =	vand.u32 $0xF0, v12;
	[tilespmem:v10+s14+$0x0] =	vst.idx.add.s32.msk vm1, v2  }
0x125: {  	s0 =	sadd.s32 $0x20, s0;
	v11 =	vxor.u32 $0x80000000, v9;
	v12 =	vxor.u32 $0xFFFFFFFF, v9;
	v10 =	vor.u32 v13, v14  }
.LBB2_13:
0x126: {  	vm1 =	vlt.s32 v9, $0x0;
	vm2 =	vge.f32 v9, v3  }
0x127: {  	vm3 =	vge.f32 v9, v4;
	v9 =	vsel vm1, v12, v11;
	vm14 =	vmneg vm2  }
0x128: {  	v11 =	vand.u32 v5, v9;
	v12 =	vshrl.u32 v9, v7;
	v9 =	vshrl.u32 v9, v8  }
0x129: {  	vm1 =	vmand vm3, vm14;
	vm15 =	veq.s32 v11, v6;
	v11 =	vshll.u32 v12, $0x4  }
0x12a: {  	v9 =	vand.u32 $0xF, v9;
	vm1 =	vmand vm1, vm15;
	v11 =	vand.u32 $0xF0, v11  }
0x12b: {  	v9 =	vor.u32 v9, v11;
	_ =	sdelay $0x3  }
0x12c: {  	[tilespmem:v10+s14+$0x0] =	vst.idx.add.s32.msk vm0, v2  }
0x12d: {  	[tilespmem:v9+s14+$0x0] =	vst.idx.add.s32.msk vm1, v2  }
.LBB2_14:
.Ltmp9:
0x12e: {  	(pc) =	sbr.rel @p3 .LBB2_17-.Ltmp9, $1  }
0x12f: {  	_ =	sdelay $0x3  }
0x130: {  	s0 =	smov.u32 s26;
	s1 =	smov.u32 s23  }
.LBB2_16:
0x131: {  	v9 =	vld [tilespmem:s0+$0x0];
	_ =	sdelay $0x4  }
0x132: {  	v10 =	vxor.u32 $0x80000000, v9  }
0x133: {  	v11 =	vxor.u32 $0xFFFFFFFF, v9;
	vm0 =	vlt.s32 v9, $0x0;
	vm1 =	vge.f32 v9, v3  }
0x134: {  	vm14 =	vge.f32 v9, v4;
	v10 =	vsel vm0, v11, v10;
	vm1 =	vmneg vm1  }
0x135: {  	vm0 =	vmand vm14, vm1;
	v9 =	vand.u32 v5, v10;
	v11 =	vshrl.u32 v10, v7  }
0x136: {  	vm15 =	veq.s32 v9, v6;
	v9 =	vshrl.u32 v10, v8;
	v10 =	vshll.u32 v11, $0x4  }
0x137: {  	s1 =	sadd.s32 $0x1, s1;
	vm0 =	vmand vm0, vm15;
	v9 =	vand.u32 $0xF, v9;
	v10 =	vand.u32 $0xF0, v10  }
0x138: {  	p4 =	slt.s32 s1, s24;
	v9 =	vor.u32 v9, v10  }
.Ltmp10:
0x139: {  	_ = 	snop;
	(pc) =	sbr.rel @p4 .LBB2_16-.Ltmp10, $2  }
0x13a: {  	_ =	sdelay $0x2  }
0x13b: {  	s0 =	sadd.s32 $0x10, s0;
	[tilespmem:v9+s14+$0x0] =	vst.idx.add.s32.msk vm0, v2  }
.Ltmp11:
0x13c: {  	_ = 	snop;
	(pc) =	sbr.rel .LBB2_17-.Ltmp11, $1  }
0x13d: {  	_ =	sdelay $0x3  }
.LBB2_18:
0x13e: {  	s0 =	simm.s32 @p1 $0x3  }
0x13f: {  	_ =	swait.ge @p1 [sflag:s0], $0x2000  }
0x140: {  	[sflag:s0] =	ssyncset.done @p1 $0x0  }
0x141: {  	p2 =	sgt.s32 s22, $0xFFFFFFFF;
	[sflag:s0] =	ssyncadd.s32 @p1 $0xFFFFE000;
	s0 =	simm.s32 $0xFFFFFFFF  }
0x142: {  	s0 =	simm.s32 @!p2 $0x80000000;
	v6 =	vld [tilespmem:s20+$0x30]  }
0x143: {  	v10 =	vld [tilespmem:s20+$0xFFFFFFD0];
	s0 =	sxor.u32 s22, s0  }
0x144: {  	v9 =	vld [tilespmem:s20+$0xFFFFFFE0];
	v3 =	vmov s0  }
0x145: {  	v8 =	vld [tilespmem:s20+$0xFFFFFFF0];
	v3 =	vbroadcast v3, $0x0  }
0x146: {  	v7 =	vld [tilespmem:s20+$0x0]  }
0x147: {  	v5 =	vld [tilespmem:s20+$0x10];
	vm0 =	vge.f32 v6, v3  }
0x148: {  	s21 =	simm.s32 $0x4040;
	v4 =	vld [tilespmem:s20+$0x20];
	vm1 =	vge.f32 v10, v3;
	v11 =	vnsel vm0, $0x0, v6  }
0x149: {  	s1 =	sadd.s32 $0x80, s20;
	s0 =	simm.s32 $0x0;
	v6 =	vld [tilespmem:s20+$0xFFFFFFC0];
	v10 =	vnsel vm1, $0x0, v10;
	vm0 =	vge.f32 v9, v3;
	[tilespmem:s21+$0x30] =	vst v11  }
.LBB2_19:
0x14a: {  	v11 =	vld [tilespmem:s1+$0x30];
	s0 =	sadd.s32 $0x8, s0;
	[tilespmem:s21+$0xFFFFFFD0] =	vst v10;
	v9 =	vnsel vm0, $0x0, v9;
	vm0 =	vge.f32 v8, v3  }
0x14b: {  	v10 =	vld [tilespmem:s1+$0xFFFFFFD0];
	p1 =	slt.u32 s0, $0x1F8;
	[tilespmem:s21+$0xFFFFFFE0] =	vst v9;
	v8 =	vnsel vm0, $0x0, v8;
	vm0 =	vge.f32 v7, v3  }
0x14c: {  	v9 =	vld [tilespmem:s1+$0xFFFFFFE0];
	[tilespmem:s21+$0xFFFFFFF0] =	vst v8;
	v7 =	vnsel vm0, $0x0, v7;
	vm0 =	vge.f32 v5, v3  }
.Ltmp12:
0x14d: {  	v8 =	vld [tilespmem:s1+$0xFFFFFFF0];
	[tilespmem:s21+$0x0] =	vst v7;
	v5 =	vnsel vm0, $0x0, v5;
	vm0 =	vge.f32 v4, v3;
	(pc) =	sbr.rel @p1 .LBB2_19-.Ltmp12, $4  }
0x14e: {  	v7 =	vld [tilespmem:s1+$0x0];
	vm1 =	vge.f32 v6, v3;
	[tilespmem:s21+$0x10] =	vst v5;
	v4 =	vnsel vm0, $0x0, v4  }
0x14f: {  	v5 =	vld [tilespmem:s1+$0x10];
	vm0 =	vge.f32 v11, v3;
	v6 =	vnsel vm1, $0x0, v6;
	[tilespmem:s21+$0x20] =	vst v4  }
0x150: {  	vm1 =	vge.f32 v10, v3;
	v4 =	vld [tilespmem:s1+$0x20];
	v11 =	vnsel vm0, $0x0, v11;
	[tilespmem:s21+$0xFFFFFFC0] =	vst v6;
	s21 =	sadd.s32 $0x80, s21  }
0x151: {  	v6 =	vld [tilespmem:s1+$0xFFFFFFC0];
	v10 =	vnsel vm1, $0x0, v10;
	vm0 =	vge.f32 v9, v3;
	[tilespmem:s21+$0x30] =	vst v11;
	s1 =	sadd.s32 $0x80, s1  }
0x152: {  	[tilespmem:s21+$0xFFFFFFD0] =	vst v10;
	v9 =	vnsel vm0, $0x0, v9;
	vm12 =	vge.f32 v8, v3  }
0x153: {  	[tilespmem:s21+$0xFFFFFFE0] =	vst v9;
	v8 =	vnsel vm12, $0x0, v8;
	vm13 =	vge.f32 v7, v3  }
0x154: {  	[tilespmem:s21+$0xFFFFFFF0] =	vst v8;
	v7 =	vnsel vm13, $0x0, v7;
	vm14 =	vge.f32 v5, v3  }
.Ltmp13:
0x155: {  	s0 =	sor.u32 s2, s19;
	[tilespmem:s21+$0x0] =	vst v7;
	v5 =	vnsel vm14, $0x0, v5;
	vm15 =	vge.f32 v4, v3;
	(pc) =	sbr.rel @p0 .LBB2_2-.Ltmp13, $4  }
0x156: {  	s0 =	sshll.u32 s0, $0x4;
	vm1 =	vge.f32 v6, v3;
	[tilespmem:s21+$0x10] =	vst v5;
	v3 =	vnsel vm15, $0x0, v4  }
0x157: {  	s19 =	simm.s32 $0x1;
	s0 =	sand.u32 $0x70, s0;
	v63 =	vnsel vm1, $0x0, v6;
	[tilespmem:s21+$0x20] =	vst v3  }
0x158: {  	p2 =	por $0x0, $0x0;
	p1 =	por $0x1, $0x1;
	s0 =	sadd.s32 s0, s6;
	[tilespmem:s21+$0xFFFFFFC0] =	vst v63  }
0x159: {  	[hbm4b:s0+s8] =	stream.strided.scatter [tilespmem:s16], [sflag:$0x3], $0x2000, s9, s8, $0x38;
	[tilespmem:$0x8180] =	vst v63  }
0x15a: {  	s18 =	sadd.s32 $0x1, s18  }
0x15b: {  	p0 =	sne.s32 s18, s7  }
.Ltmp14:
0x15c: {  	_ = 	snop;
	(pc) =	sbr.rel @p0 .LBB2_1-.Ltmp14, $4  }
0x15d: {  	_ = 	snop  }
0x15e: {  	_ =	swait.ge [sflag:s17], $0x2000  }
0x15f: {  	[sflag:s17] =	ssyncset.done $0x0  }
0x160: {  	[sflag:s17] =	ssyncadd.s32 $0xFFFFE000  }
0x161: {  	_ =	sfence.sel $0x180000  }
0x162: {  	[bflag:$0x0] =	sbarrier.arrive $0xFFFF  }
0x163: {  	_ =	strace $0x90000047  }
0x164: {  	s0 =	stileid.u32;
	[bflag:$0x2] =	sbarrier.arrive $0xFFFF  }
0x165: {  	p0 =	sne.s32 s0, $0x0;
	s0 =	rddreg [dreg:$0x2]  }
0x166: {  	s0 =	sadd.s32 @!p0 $0x100000, s0  }
0x167: {  	[sflag:s0] =	ssyncadd.tile.s32 @!p0 $0x1;
	_ =	shalt  }
.Lfunc_end2:
_tile_overlayer_lowered:
.L_overlay_start_2:
0x168: {  	(tag) =	ssettag $0x2  }
0x169: {  	s0 =	rddreg [dreg:$0x0];
	s2 =	stileid.u32  }
0x16a: {  	s1 =	rddreg [dreg:$0x1];
	p0 =	sne.s32 s2, $0x0  }
0x16b: {  	s3 =	rddreg [dreg:$0x2];
	[bflag:$0x3] =	sbarrier.arrive $0xFFFF;
	s2 =	simm.s32 @!p0 $0x1C04  }
0x16c: {  	[timem:s3], [sflag:s2] =	dma.local @!p0 [hbm:s0], s1  }
0x16d: {  	s0 =	simm.s32 @!p0 $0x4  }
0x16e: {  	_ =	swait.ge @!p0 [sflag:s0], s1  }
0x16f: {  	s1 =	ssub.s32 @!p0 $0x0, s1;
	[sflag:s0] =	ssyncset.done @!p0 $0x0  }
0x170: {  	[sflag:s0] =	ssyncadd.s32 @!p0 s1  }
0x171: {  	[bflag:$0x3] =	sbarrier.arrive $0xFFFF  }
0x172: {  	_ =	shalt  }

</sc_bundles>
